<compile_context>
chip_gen: v7x
topology: tpu7x:2x2x1
jax: 0.10.2.dev20260603
libtpu: 0.0.44.dev20260713+nightly
codegen_flags: <defaults>
</compile_context>

<pallas_src>
import functools

import jax
import jax.numpy as jnp
from jax import lax
from jax.experimental import pallas as pl
from jax.experimental.pallas import tpu as pltpu
from jax.experimental.pallas import tpu_sc as plsc

N = 50000
E = 800000
B = 2
T = 16
FIN = 8
H = 64
G = 32


BMH = 1000
NBH = (N // 2) // BMH



def _sigt(v):
    return 0.5 * jnp.tanh(0.5 * v) + 0.5


def _lstm_body(x_ref, wih_ref, whh_ref, bias_ref, m64_ref, gam_ref, bet_ref,
               wg_ref, ws_ref, bs_ref, xt_ref, sc_ref):
    xb = x_ref[0]
    hp = jnp.zeros((BMH, 2 * H), jnp.float32)
    cp = jnp.zeros((BMH, 2 * H), jnp.float32)
    whh = whh_ref[...]
    bias = bias_ref[...]
    for t in range(T):
        g_all = (jnp.dot(xb, wih_ref[t], preferred_element_type=jnp.float32)
                 + jnp.dot(hp, whh, preferred_element_type=jnp.float32)
                 + bias)
        gi = _sigt(g_all[:, 0:2 * H])
        gf = _sigt(g_all[:, 2 * H:4 * H])
        gg = jnp.tanh(g_all[:, 4 * H:6 * H])
        go = _sigt(g_all[:, 6 * H:8 * H])
        cp = gf * cp + gi * gg
        hp = go * jnp.tanh(cp)
    mu = jnp.dot(hp, m64_ref[...], preferred_element_type=jnp.float32)
    d = hp - mu
    var = jnp.dot(d * d, m64_ref[...], preferred_element_type=jnp.float32)
    hn = d * lax.rsqrt(var + 1e-5) * gam_ref[...] + bet_ref[...]
    xt_ref[0] = jnp.dot(hn, wg_ref[...], preferred_element_type=jnp.float32)
    sc_ref[0] = jnp.dot(hn, ws_ref[...],
                        preferred_element_type=jnp.float32) + bs_ref[...]


def _stage1(xh, wih2, whh2, bias2, m64, gamma2, beta2, wg2, ws2, bs2):
    full = lambda s: pl.BlockSpec(s, lambda b, i: tuple(0 for _ in s))
    return pl.pallas_call(
        _lstm_body,
        grid=(B, NBH),
        in_specs=[
            pl.BlockSpec((1, BMH, T * 2 * FIN), lambda b, i: (b, i, 0)),
            full((T, T * 2 * FIN, 8 * H)),
            full((2 * H, 8 * H)),
            full((1, 8 * H)),
            full((2 * H, 2 * H)),
            full((1, 2 * H)),
            full((1, 2 * H)),
            full((2 * H, 2 * G)),
            full((2 * H, 2 * G)),
            full((1, 2 * G)),
        ],
        out_specs=[
            pl.BlockSpec((1, BMH, 2 * G), lambda b, i: (b, i, 0)),
            pl.BlockSpec((1, BMH, 2 * G), lambda b, i: (b, i, 0)),
        ],
        out_shape=[
            jax.ShapeDtypeStruct((B, N // 2, 2 * G), jnp.float32),
            jax.ShapeDtypeStruct((B, N // 2, 2 * G), jnp.float32),
        ],
    )(xh, wih2, whh2, bias2, m64, gamma2, beta2, wg2, ws2, bs2)


def _pack_weights(W_ih, W_hh, b_ih, b_hh, ln_gamma, ln_beta, W_g, W_s, b_s):
    wih_t = W_ih.T
    whh_t = W_hh.T
    bvec = b_ih + b_hh
    wih2 = jnp.zeros((2 * FIN, 8 * H), jnp.float32)
    whh2 = jnp.zeros((2 * H, 8 * H), jnp.float32)
    bias2 = jnp.zeros((8 * H,), jnp.float32)
    for k in range(4):
        wih2 = wih2.at[0:FIN, 2 * k * H:(2 * k + 1) * H].set(
            wih_t[:, k * H:(k + 1) * H])
        wih2 = wih2.at[FIN:2 * FIN, (2 * k + 1) * H:(2 * k + 2) * H].set(
            wih_t[:, k * H:(k + 1) * H])
        whh2 = whh2.at[0:H, 2 * k * H:(2 * k + 1) * H].set(
            whh_t[:, k * H:(k + 1) * H])
        whh2 = whh2.at[H:2 * H, (2 * k + 1) * H:(2 * k + 2) * H].set(
            whh_t[:, k * H:(k + 1) * H])
        bias2 = bias2.at[2 * k * H:(2 * k + 1) * H].set(bvec[k * H:(k + 1) * H])
        bias2 = bias2.at[(2 * k + 1) * H:(2 * k + 2) * H].set(
            bvec[k * H:(k + 1) * H])
    wih_big = jnp.zeros((T, T * 2 * FIN, 8 * H), jnp.float32)
    for t in range(T):
        wih_big = wih_big.at[t, t * 2 * FIN:(t + 1) * 2 * FIN, :].set(wih2)
    ones64 = jnp.ones((H, H), jnp.float32) / H
    m64 = jnp.zeros((2 * H, 2 * H), jnp.float32)
    m64 = m64.at[0:H, 0:H].set(ones64).at[H:2 * H, H:2 * H].set(ones64)
    gamma2 = jnp.concatenate([ln_gamma, ln_gamma]).reshape(1, 2 * H)
    beta2 = jnp.concatenate([ln_beta, ln_beta]).reshape(1, 2 * H)
    wg2 = jnp.zeros((2 * H, 2 * G), jnp.float32)
    wg2 = wg2.at[0:H, 0:G].set(W_g).at[H:2 * H, G:2 * G].set(W_g)
    ws2 = jnp.zeros((2 * H, 2 * G), jnp.float32)
    ws2 = ws2.at[0:H, 0:G].set(W_s).at[H:2 * H, G:2 * G].set(W_s)
    bs2 = jnp.concatenate([b_s, b_s]).reshape(1, 2 * G)
    return (wih_big, whh2, bias2.reshape(1, 8 * H), m64, gamma2, beta2,
            wg2, ws2, bs2)


def _repack_body(in_ref, out_ref):
    v = in_ref[...]
    out_ref[...] = jnp.concatenate([v[:, 0, :], v[:, 1, :]], axis=1)


def _repack(xt3):
    return pl.pallas_call(
        _repack_body,
        grid=(B * N // 4 // 1000,),
        in_specs=[pl.BlockSpec((1000, 2, 2 * G), lambda i: (i, 0, 0))],
        out_specs=pl.BlockSpec((1000, 4 * G), lambda i: (i, 0)),
        out_shape=jax.ShapeDtypeStruct((B * N // 4, 4 * G), jnp.float32),
    )(xt3)



NS = 16
SUB = 128
SPC = 4
CH = SUB * SPC
NCHUNK = 98
EPT = CH * NCHUNK
EP = EPT * NS
ZR = 1000
NZ = N // ZR


def _sc_body(xr_hbm, src0_hbm, src1_hbm, dst_hbm, zeros_hbm, out_hbm,
             src_v, dst_v, rows_v, acc,
             sem_i, sem_g0, sem_g1, sem_g2, sem_g3,
             sem_s0, sem_s1, sem_s2, sem_s3):
    c = lax.axis_index("c")
    s = lax.axis_index("s")
    sem_g = [sem_g0, sem_g1, sem_g2, sem_g3]
    sem_s = [sem_s0, sem_s1, sem_s2, sem_s3]
    for k in range(4):
        j = k * NS + s

        @pl.when(j < NZ)
        def _():
            pltpu.sync_copy(zeros_hbm, acc.at[pl.ds(j * ZR, ZR)])

    plsc.subcore_barrier()

    base = s * (NCHUNK * SPC)

    def idx_start(chunk, par):
        row = base + chunk * SPC

        @pl.when(c == 0)
        def _():
            pltpu.make_async_copy(src0_hbm.at[pl.ds(row, SPC)],
                                  src_v.at[par], sem_i).start()

        @pl.when(c == 1)
        def _():
            pltpu.make_async_copy(src1_hbm.at[pl.ds(row, SPC)],
                                  src_v.at[par], sem_i).start()

        pltpu.make_async_copy(dst_hbm.at[pl.ds(row, SPC)],
                              dst_v.at[par], sem_i).start()

    def idx_wait(chunk, par):
        row = base + chunk * SPC
        pltpu.make_async_copy(src0_hbm.at[pl.ds(row, SPC)],
                              src_v.at[par], sem_i).wait()
        pltpu.make_async_copy(dst_hbm.at[pl.ds(row, SPC)],
                              dst_v.at[par], sem_i).wait()

    def gather(par, j, slot):
        return pltpu.make_async_copy(xr_hbm.at[src_v.at[par, j]],
                                     rows_v.at[slot], sem_g[slot])

    def scatter(par, j, slot):
        return pltpu.make_async_copy(rows_v.at[slot],
                                     acc.at[dst_v.at[par, j]], sem_s[slot])

    idx_start(0, 0)
    idx_wait(0, 0)
    gather(0, 0, 0).start()

    def chunk_body(chunk, carry):
        par = lax.rem(chunk, 3)
        parn = lax.rem(chunk + 1, 3)
        parp = lax.rem(chunk + 2, 3)

        @pl.when(chunk < NCHUNK - 1)
        def _():
            idx_start(chunk + 1, parn)

        for j in range(SPC):
            if j < SPC - 1:
                @pl.when(chunk > 0)
                def _():
                    scatter(parp, j + 1, j + 1).wait()

                gather(par, j + 1, j + 1).start()
            else:
                @pl.when(chunk < NCHUNK - 1)
                def _():
                    idx_wait(chunk + 1, parn)
                    scatter(par, 0, 0).wait()
                    gather(parn, 0, 0).start()
            gather(par, j, j).wait()
            scatter(par, j, j).start(add=True)
        return carry

    lax.fori_loop(0, NCHUNK, chunk_body, 0, unroll=False)
    par_last = (NCHUNK - 1) % 3
    for j in range(SPC):
        scatter(par_last, j, j).wait()
    plsc.subcore_barrier()
    for k in range(4):
        j = k * NS + s

        @pl.when(j < NZ)
        def _():
            pltpu.sync_copy(acc.at[pl.ds(j * ZR, ZR)],
                            out_hbm.at[pl.ds(c * N + j * ZR, ZR)])


def _stage2(xr2, src0, src1, dstm, zeros):
    mesh = plsc.VectorSubcoreMesh(core_axis_name="c", subcore_axis_name="s")
    kfn = functools.partial(
        pl.kernel,
        mesh=mesh,
        out_type=jax.ShapeDtypeStruct((B * N, G), jnp.float32),
        scratch_types=[
            pltpu.VMEM((3, SPC, SUB), jnp.int32),
            pltpu.VMEM((3, SPC, SUB), jnp.int32),
            pltpu.VMEM((SPC, SUB, G), jnp.float32),
            pltpu.VMEM_SHARED((N + 8, G), jnp.float32),
            pltpu.SemaphoreType.DMA,
            pltpu.SemaphoreType.DMA,
            pltpu.SemaphoreType.DMA,
            pltpu.SemaphoreType.DMA,
            pltpu.SemaphoreType.DMA,
            pltpu.SemaphoreType.DMA,
            pltpu.SemaphoreType.DMA,
            pltpu.SemaphoreType.DMA,
            pltpu.SemaphoreType.DMA,
        ],
        compiler_params=pltpu.CompilerParams(use_tc_tiling_on_sc=False),
    )(_sc_body)
    return kfn(xr2, src0, src1, dstm, zeros)



BM3 = 2000


def _readout_body(sc_ref, agg_ref, wt_ref, bfc_ref, out_ref):
    v = jnp.maximum(sc_ref[0] + agg_ref[0], 0.0)
    out_ref[0] = jnp.sum(v * wt_ref[...], axis=1, keepdims=True) + bfc_ref[0, 0]


def _stage3(selfc, agg3, wt, bfc):
    full = lambda s: pl.BlockSpec(s, lambda b, i: tuple(0 for _ in s))
    return pl.pallas_call(
        _readout_body,
        grid=(B, N // BM3),
        in_specs=[
            pl.BlockSpec((1, BM3, G), lambda b, i: (b, i, 0)),
            pl.BlockSpec((1, BM3, G), lambda b, i: (b, i, 0)),
            full((1, G)),
            full((1, 1)),
        ],
        out_specs=pl.BlockSpec((1, BM3, 1), lambda b, i: (b, i, 0)),
        out_shape=jax.ShapeDtypeStruct((B, N, 1), jnp.float32),
    )(selfc, agg3, wt, bfc)


def kernel(x, W_ih, W_hh, b_ih, b_hh, ln_gamma, ln_beta, W_g, W_s, b_s,
           W_fc, b_fc, adj_val, src, dst):
    packed = _pack_weights(W_ih, W_hh, b_ih, b_hh, ln_gamma, ln_beta,
                           W_g, W_s, b_s)
    xh = jnp.transpose(x.reshape(B, T, N // 2, 2 * FIN),
                       (0, 2, 1, 3)).reshape(B, N // 2, T * 2 * FIN)
    xt_all, selfc_p = _stage1(xh, *packed)
    selfc = selfc_p.reshape(B, N, G)
    xt4 = _repack(xt_all.reshape(B * N // 4, 2, 2 * G))
    xr2 = xt4.reshape(B * N, G)

    pad = EP - E
    src_p = jnp.concatenate([src, jnp.zeros((pad,), jnp.int32)])
    dst_p = jnp.concatenate([dst, jnp.full((pad,), N, jnp.int32)])
    src0 = src_p.reshape(EP // SUB, SUB)
    src1 = src0 + N
    dstm = dst_p.reshape(EP // SUB, SUB)
    zeros = jnp.zeros((ZR, G), jnp.float32)

    agg2 = _stage2(xr2, src0, src1, dstm, zeros)
    agg3 = agg2.reshape(B, N, G)

    return _stage3(selfc, agg3, W_fc.T.reshape(1, G), b_fc.reshape(1, 1))

# --- scband reference (transcript-rebuilt; emitter-appended) ---
"""Pipeline reference for scband-gnnmodel-31774168055930 (READ-ONLY COPY).

The authoritative reference and input builder live on the scoring server;
editing this copy changes nothing except your own understanding.
"""

import jax, jax.numpy as jnp
import numpy as np

N = 50000
E = 800000
B = 2
T = 16
FIN = 8
H = 64
G = 32


def setup_inputs(seed: int = 0) -> dict:
    key = jax.random.key(seed)
    ks = jax.random.split(key, 16)
    x = jax.random.normal(ks[0], (B, T, N, FIN), dtype=jnp.float32)
    # sparse adjacency A[i,j]=1 if j->i, stored as COO (dst=row, src=col), values=1
    src = jax.random.randint(ks[1], (E,), 0, N, dtype=jnp.int32)
    dst = jax.random.randint(ks[2], (E,), 0, N, dtype=jnp.int32)
    adj_val = jnp.ones((E,), dtype=jnp.float32)
    s_lstm = 1.0 / np.sqrt(H)
    W_ih = jax.random.uniform(ks[3], (4 * H, FIN), jnp.float32, -s_lstm, s_lstm)
    W_hh = jax.random.uniform(ks[4], (4 * H, H), jnp.float32, -s_lstm, s_lstm)
    b_ih = jax.random.uniform(ks[5], (4 * H,), jnp.float32, -s_lstm, s_lstm)
    b_hh = jax.random.uniform(ks[6], (4 * H,), jnp.float32, -s_lstm, s_lstm)
    ln_gamma = jnp.ones((H,), jnp.float32)
    ln_beta = jnp.zeros((H,), jnp.float32)
    s_g = 1.0 / np.sqrt(H)
    W_g = jax.random.uniform(ks[7], (H, G), jnp.float32, -s_g, s_g)
    W_s = jax.random.uniform(ks[8], (H, G), jnp.float32, -s_g, s_g)
    b_s = jax.random.uniform(ks[9], (G,), jnp.float32, -s_g, s_g)
    s_fc = 1.0 / np.sqrt(G)
    W_fc = jax.random.uniform(ks[10], (G, 1), jnp.float32, -s_fc, s_fc)
    b_fc = jax.random.uniform(ks[11], (1,), jnp.float32, -s_fc, s_fc)
    return {
        'x': x, 'W_ih': W_ih, 'W_hh': W_hh, 'b_ih': b_ih, 'b_hh': b_hh,
        'ln_gamma': ln_gamma, 'ln_beta': ln_beta,
        'W_g': W_g, 'W_s': W_s, 'b_s': b_s, 'W_fc': W_fc, 'b_fc': b_fc,
        'adj_val': adj_val, 'src': src, 'dst': dst,
    }


def reference(x, W_ih, W_hh, b_ih, b_hh, ln_gamma, ln_beta, W_g, W_s, b_s, W_fc, b_fc, adj_val, src, dst):
    Bb, Tt, Nn, Ff = x.shape
    # node-level LSTM: (B, T, N, F) -> (B*N, T, F)
    xs = jnp.transpose(x, (0, 2, 1, 3)).reshape(Bb * Nn, Tt, Ff)
    xt_seq = jnp.transpose(xs, (1, 0, 2))  # (T, B*N, F)

    def step(carry, xt):
        h, c = carry
        gates = xt @ W_ih.T + b_ih + h @ W_hh.T + b_hh
        i, f, g, o = jnp.split(gates, 4, axis=-1)
        i = jax.nn.sigmoid(i)
        f = jax.nn.sigmoid(f)
        g = jnp.tanh(g)
        o = jax.nn.sigmoid(o)
        c = f * c + i * g
        h = o * jnp.tanh(c)
        return (h, c), None

    h0 = jnp.zeros((Bb * Nn, H), jnp.float32)
    c0 = jnp.zeros((Bb * Nn, H), jnp.float32)
    (hT, _), _ = jax.lax.scan(step, (h0, c0), xt_seq)

    # LayerNorm (dropout is identity in eval mode)
    mu = jnp.mean(hT, axis=-1, keepdims=True)
    var = jnp.var(hT, axis=-1, keepdims=True)
    hn = (hT - mu) / jnp.sqrt(var + 1e-5) * ln_gamma + ln_beta
    hn = hn.reshape(Bb, Nn, H)

    # DirectedGraphLayer
    x_trans = hn @ W_g  # (B, N, G), weight has no bias
    xr = jnp.transpose(x_trans, (1, 0, 2)).reshape(Nn, Bb * G)
    gathered = xr[src] * adj_val[:, None]  # gather upstream rows (SparseCore gather)
    agg = jax.ops.segment_sum(gathered, dst, num_segments=Nn)  # scatter-add
    agg = jnp.transpose(agg.reshape(Nn, Bb, G), (1, 0, 2))
    self_c = hn @ W_s + b_s
    out = jax.nn.relu(self_c + agg)

    # readout
    return out @ W_fc + b_fc  # (B, N, 1)

if __name__ == "__main__":
    import jax
    _d = setup_inputs()
    print(jax.jit(kernel)(*tuple(_d.values())))

</pallas_src>

<mosaic_0001>
#map = affine_map<(d0, d1) -> (0, 0)>
module attributes {stable_mosaic.version = 14 : i64} {
  func.func @_sc_body(%arg0: i32, %arg1: i32, %arg2: memref<100000x32xf32, #tpu.memory_space<hbm>>, %arg3: memref<6272x128xi32, #tpu.memory_space<hbm>>, %arg4: memref<6272x128xi32, #tpu.memory_space<hbm>>, %arg5: memref<6272x128xi32, #tpu.memory_space<hbm>>, %arg6: memref<1000x32xf32, #tpu.memory_space<hbm>>, %arg7: memref<100000x32xf32, #tpu.memory_space<hbm>>, %arg8: memref<3x4x128xi32, #tpu.memory_space<vmem>>, %arg9: memref<3x4x128xi32, #tpu.memory_space<vmem>>, %arg10: memref<4x128x32xf32, #tpu.memory_space<vmem>>, %arg11: memref<50008x32xf32, #tpu.memory_space<vmem_shared>>, %arg12: memref<!tpu.dma_semaphore, #tpu.memory_space<semaphore_mem>>, %arg13: memref<!tpu.dma_semaphore, #tpu.memory_space<semaphore_mem>>, %arg14: memref<!tpu.dma_semaphore, #tpu.memory_space<semaphore_mem>>, %arg15: memref<!tpu.dma_semaphore, #tpu.memory_space<semaphore_mem>>, %arg16: memref<!tpu.dma_semaphore, #tpu.memory_space<semaphore_mem>>, %arg17: memref<!tpu.dma_semaphore, #tpu.memory_space<semaphore_mem>>, %arg18: memref<!tpu.dma_semaphore, #tpu.memory_space<semaphore_mem>>, %arg19: memref<!tpu.dma_semaphore, #tpu.memory_space<semaphore_mem>>, %arg20: memref<!tpu.dma_semaphore, #tpu.memory_space<semaphore_mem>>) attributes {dimension_semantics = [#tpu.dimension_semantics<core_parallel>, #tpu.dimension_semantics<subcore_parallel>], iteration_bounds = array<i64: 2, 16>, scalar_prefetch = 0 : i64, scratch_operands = 13 : i64, tpu.core_type = #tpu.core_type<sc_vector_subcore>, window_params = [{transform_indices = #map}, {transform_indices = #map}, {transform_indices = #map}, {transform_indices = #map}, {transform_indices = #map}, {transform_indices = #map}]} {
    %add3A = arith.constant 0 : i32
    %add3A_0 = arith.addi %add3A, %arg1 : i32
    %lt3A = arith.constant 50 : i32
    %lt3A_1 = arith.cmpi slt, %add3A_0, %lt3A : i32
    %convert_element_type3A = arith.extui %lt3A_1 : i1 to i32
    %cond3A = arith.constant 0 : i32
    %cond3A_2 = arith.cmpi ne, %convert_element_type3A, %cond3A : i32
    scf.if %cond3A_2 {
      %mul3A_174 = arith.constant 1000 : i32
      %mul3A_175 = arith.muli %add3A_0, %mul3A_174 : i32
      "tpu.region"() ({
        %run_scoped3A = tpu.sem_alloc : memref<!tpu.dma_semaphore, #tpu.memory_space<semaphore_mem>>
        %dma_start3A_176 = arith.constant 0 : i32
        %dma_start3A_177 = tpu.memref_slice %arg11[%mul3A_175, %dma_start3A_176] : memref<50008x32xf32, #tpu.memory_space<vmem_shared>> -> memref<1000x32xf32, #tpu.memory_space<vmem_shared>>
        tpu.enqueue_dma source(%arg6 : memref<1000x32xf32, #tpu.memory_space<hbm>>) target(%dma_start3A_177 : memref<1000x32xf32, #tpu.memory_space<vmem_shared>>) target_semaphore(%run_scoped3A : memref<!tpu.dma_semaphore, #tpu.memory_space<semaphore_mem>>)
        %dma_wait3A_178 = arith.constant 0 : i32
        %dma_wait3A_179 = tpu.memref_slice %arg11[%mul3A_175, %dma_wait3A_178] : memref<50008x32xf32, #tpu.memory_space<vmem_shared>> -> memref<1000x32xf32, #tpu.memory_space<vmem_shared>>
        tpu.wait_dma2 semaphore(%run_scoped3A : memref<!tpu.dma_semaphore, #tpu.memory_space<semaphore_mem>>) src(%arg6 : memref<1000x32xf32, #tpu.memory_space<hbm>>) dst(%dma_wait3A_179 : memref<1000x32xf32, #tpu.memory_space<vmem_shared>>)
        tpu.yield
      }) : () -> ()
    } else {
    }
    %add3A_3 = arith.constant 16 : i32
    %add3A_4 = arith.addi %add3A_3, %arg1 : i32
    %lt3A_5 = arith.constant 50 : i32
    %lt3A_6 = arith.cmpi slt, %add3A_4, %lt3A_5 : i32
    %convert_element_type3A_7 = arith.extui %lt3A_6 : i1 to i32
    %cond3A_8 = arith.constant 0 : i32
    %cond3A_9 = arith.cmpi ne, %convert_element_type3A_7, %cond3A_8 : i32
    scf.if %cond3A_9 {
      %mul3A_174 = arith.constant 1000 : i32
      %mul3A_175 = arith.muli %add3A_4, %mul3A_174 : i32
      "tpu.region"() ({
        %run_scoped3A = tpu.sem_alloc : memref<!tpu.dma_semaphore, #tpu.memory_space<semaphore_mem>>
        %dma_start3A_176 = arith.constant 0 : i32
        %dma_start3A_177 = tpu.memref_slice %arg11[%mul3A_175, %dma_start3A_176] : memref<50008x32xf32, #tpu.memory_space<vmem_shared>> -> memref<1000x32xf32, #tpu.memory_space<vmem_shared>>
        tpu.enqueue_dma source(%arg6 : memref<1000x32xf32, #tpu.memory_space<hbm>>) target(%dma_start3A_177 : memref<1000x32xf32, #tpu.memory_space<vmem_shared>>) target_semaphore(%run_scoped3A : memref<!tpu.dma_semaphore, #tpu.memory_space<semaphore_mem>>)
        %dma_wait3A_178 = arith.constant 0 : i32
        %dma_wait3A_179 = tpu.memref_slice %arg11[%mul3A_175, %dma_wait3A_178] : memref<50008x32xf32, #tpu.memory_space<vmem_shared>> -> memref<1000x32xf32, #tpu.memory_space<vmem_shared>>
        tpu.wait_dma2 semaphore(%run_scoped3A : memref<!tpu.dma_semaphore, #tpu.memory_space<semaphore_mem>>) src(%arg6 : memref<1000x32xf32, #tpu.memory_space<hbm>>) dst(%dma_wait3A_179 : memref<1000x32xf32, #tpu.memory_space<vmem_shared>>)
        tpu.yield
      }) : () -> ()
    } else {
    }
    %add3A_10 = arith.constant 32 : i32
    %add3A_11 = arith.addi %add3A_10, %arg1 : i32
    %lt3A_12 = arith.constant 50 : i32
    %lt3A_13 = arith.cmpi slt, %add3A_11, %lt3A_12 : i32
    %convert_element_type3A_14 = arith.extui %lt3A_13 : i1 to i32
    %cond3A_15 = arith.constant 0 : i32
    %cond3A_16 = arith.cmpi ne, %convert_element_type3A_14, %cond3A_15 : i32
    scf.if %cond3A_16 {
      %mul3A_174 = arith.constant 1000 : i32
      %mul3A_175 = arith.muli %add3A_11, %mul3A_174 : i32
      "tpu.region"() ({
        %run_scoped3A = tpu.sem_alloc : memref<!tpu.dma_semaphore, #tpu.memory_space<semaphore_mem>>
        %dma_start3A_176 = arith.constant 0 : i32
        %dma_start3A_177 = tpu.memref_slice %arg11[%mul3A_175, %dma_start3A_176] : memref<50008x32xf32, #tpu.memory_space<vmem_shared>> -> memref<1000x32xf32, #tpu.memory_space<vmem_shared>>
        tpu.enqueue_dma source(%arg6 : memref<1000x32xf32, #tpu.memory_space<hbm>>) target(%dma_start3A_177 : memref<1000x32xf32, #tpu.memory_space<vmem_shared>>) target_semaphore(%run_scoped3A : memref<!tpu.dma_semaphore, #tpu.memory_space<semaphore_mem>>)
        %dma_wait3A_178 = arith.constant 0 : i32
        %dma_wait3A_179 = tpu.memref_slice %arg11[%mul3A_175, %dma_wait3A_178] : memref<50008x32xf32, #tpu.memory_space<vmem_shared>> -> memref<1000x32xf32, #tpu.memory_space<vmem_shared>>
        tpu.wait_dma2 semaphore(%run_scoped3A : memref<!tpu.dma_semaphore, #tpu.memory_space<semaphore_mem>>) src(%arg6 : memref<1000x32xf32, #tpu.memory_space<hbm>>) dst(%dma_wait3A_179 : memref<1000x32xf32, #tpu.memory_space<vmem_shared>>)
        tpu.yield
      }) : () -> ()
    } else {
    }
    %add3A_17 = arith.constant 48 : i32
    %add3A_18 = arith.addi %add3A_17, %arg1 : i32
    %lt3A_19 = arith.constant 50 : i32
    %lt3A_20 = arith.cmpi slt, %add3A_18, %lt3A_19 : i32
    %convert_element_type3A_21 = arith.extui %lt3A_20 : i1 to i32
    %cond3A_22 = arith.constant 0 : i32
    %cond3A_23 = arith.cmpi ne, %convert_element_type3A_21, %cond3A_22 : i32
    scf.if %cond3A_23 {
      %mul3A_174 = arith.constant 1000 : i32
      %mul3A_175 = arith.muli %add3A_18, %mul3A_174 : i32
      "tpu.region"() ({
        %run_scoped3A = tpu.sem_alloc : memref<!tpu.dma_semaphore, #tpu.memory_space<semaphore_mem>>
        %dma_start3A_176 = arith.constant 0 : i32
        %dma_start3A_177 = tpu.memref_slice %arg11[%mul3A_175, %dma_start3A_176] : memref<50008x32xf32, #tpu.memory_space<vmem_shared>> -> memref<1000x32xf32, #tpu.memory_space<vmem_shared>>
        tpu.enqueue_dma source(%arg6 : memref<1000x32xf32, #tpu.memory_space<hbm>>) target(%dma_start3A_177 : memref<1000x32xf32, #tpu.memory_space<vmem_shared>>) target_semaphore(%run_scoped3A : memref<!tpu.dma_semaphore, #tpu.memory_space<semaphore_mem>>)
        %dma_wait3A_178 = arith.constant 0 : i32
        %dma_wait3A_179 = tpu.memref_slice %arg11[%mul3A_175, %dma_wait3A_178] : memref<50008x32xf32, #tpu.memory_space<vmem_shared>> -> memref<1000x32xf32, #tpu.memory_space<vmem_shared>>
        tpu.wait_dma2 semaphore(%run_scoped3A : memref<!tpu.dma_semaphore, #tpu.memory_space<semaphore_mem>>) src(%arg6 : memref<1000x32xf32, #tpu.memory_space<hbm>>) dst(%dma_wait3A_179 : memref<1000x32xf32, #tpu.memory_space<vmem_shared>>)
        tpu.yield
      }) : () -> ()
    } else {
    }
    %barrier3A = arith.constant 0 : index
    tpu.barrier barrier_id(%barrier3A)
    %mul3A = arith.constant 392 : i32
    %mul3A_24 = arith.muli %arg1, %mul3A : i32
    %add3A_25 = arith.constant 0 : i32
    %add3A_26 = arith.addi %mul3A_24, %add3A_25 : i32
    %eq3A = arith.constant 0 : i32
    %eq3A_27 = arith.cmpi eq, %arg0, %eq3A : i32
    %convert_element_type3A_28 = arith.extui %eq3A_27 : i1 to i32
    %cond3A_29 = arith.constant 0 : i32
    %cond3A_30 = arith.cmpi ne, %convert_element_type3A_28, %cond3A_29 : i32
    scf.if %cond3A_30 {
      %dma_start3A_174 = arith.constant 0 : i32
      %dma_start3A_175 = arith.constant 0 : i32
      %dma_start3A_176 = arith.constant 0 : i32
      %dma_start3A_177 = tpu.memref_slice %arg8[%dma_start3A_174, %dma_start3A_175, %dma_start3A_176] : memref<3x4x128xi32, #tpu.memory_space<vmem>> -> memref<1x4x128xi32, #tpu.memory_space<vmem>>
      %dma_start3A_178 = tpu.memref_squeeze %dma_start3A_177 : memref<1x4x128xi32, #tpu.memory_space<vmem>> -> memref<4x128xi32, #tpu.memory_space<vmem>>
      %dma_start3A_179 = arith.constant 0 : i32
      %dma_start3A_180 = tpu.memref_slice %arg3[%add3A_26, %dma_start3A_179] : memref<6272x128xi32, #tpu.memory_space<hbm>> -> memref<4x128xi32, #tpu.memory_space<hbm>>
      %dma_start3A_181 = arith.constant 0 : i32
      %dma_start3A_182 = arith.constant 0 : i32
      %dma_start3A_183 = tpu.memref_slice %arg8[%dma_start3A_174, %dma_start3A_181, %dma_start3A_182] : memref<3x4x128xi32, #tpu.memory_space<vmem>> -> memref<1x4x128xi32, #tpu.memory_space<vmem>>
      %dma_start3A_184 = tpu.memref_squeeze %dma_start3A_183 : memref<1x4x128xi32, #tpu.memory_space<vmem>> -> memref<4x128xi32, #tpu.memory_space<vmem>>
      %dma_start3A_185 = arith.constant 0 : i32
      %dma_start3A_186 = tpu.memref_slice %arg3[%add3A_26, %dma_start3A_185] : memref<6272x128xi32, #tpu.memory_space<hbm>> -> memref<4x128xi32, #tpu.memory_space<hbm>>
      tpu.enqueue_dma source(%dma_start3A_186 : memref<4x128xi32, #tpu.memory_space<hbm>>) target(%dma_start3A_184 : memref<4x128xi32, #tpu.memory_space<vmem>>) target_semaphore(%arg12 : memref<!tpu.dma_semaphore, #tpu.memory_space<semaphore_mem>>)
    } else {
    }
    %eq3A_31 = arith.constant 1 : i32
    %eq3A_32 = arith.cmpi eq, %arg0, %eq3A_31 : i32
    %convert_element_type3A_33 = arith.extui %eq3A_32 : i1 to i32
    %cond3A_34 = arith.constant 0 : i32
    %cond3A_35 = arith.cmpi ne, %convert_element_type3A_33, %cond3A_34 : i32
    scf.if %cond3A_35 {
      %dma_start3A_174 = arith.constant 0 : i32
      %dma_start3A_175 = arith.constant 0 : i32
      %dma_start3A_176 = arith.constant 0 : i32
      %dma_start3A_177 = tpu.memref_slice %arg8[%dma_start3A_174, %dma_start3A_175, %dma_start3A_176] : memref<3x4x128xi32, #tpu.memory_space<vmem>> -> memref<1x4x128xi32, #tpu.memory_space<vmem>>
      %dma_start3A_178 = tpu.memref_squeeze %dma_start3A_177 : memref<1x4x128xi32, #tpu.memory_space<vmem>> -> memref<4x128xi32, #tpu.memory_space<vmem>>
      %dma_start3A_179 = arith.constant 0 : i32
      %dma_start3A_180 = tpu.memref_slice %arg4[%add3A_26, %dma_start3A_179] : memref<6272x128xi32, #tpu.memory_space<hbm>> -> memref<4x128xi32, #tpu.memory_space<hbm>>
      %dma_start3A_181 = arith.constant 0 : i32
      %dma_start3A_182 = arith.constant 0 : i32
      %dma_start3A_183 = tpu.memref_slice %arg8[%dma_start3A_174, %dma_start3A_181, %dma_start3A_182] : memref<3x4x128xi32, #tpu.memory_space<vmem>> -> memref<1x4x128xi32, #tpu.memory_space<vmem>>
      %dma_start3A_184 = tpu.memref_squeeze %dma_start3A_183 : memref<1x4x128xi32, #tpu.memory_space<vmem>> -> memref<4x128xi32, #tpu.memory_space<vmem>>
      %dma_start3A_185 = arith.constant 0 : i32
      %dma_start3A_186 = tpu.memref_slice %arg4[%add3A_26, %dma_start3A_185] : memref<6272x128xi32, #tpu.memory_space<hbm>> -> memref<4x128xi32, #tpu.memory_space<hbm>>
      tpu.enqueue_dma source(%dma_start3A_186 : memref<4x128xi32, #tpu.memory_space<hbm>>) target(%dma_start3A_184 : memref<4x128xi32, #tpu.memory_space<vmem>>) target_semaphore(%arg12 : memref<!tpu.dma_semaphore, #tpu.memory_space<semaphore_mem>>)
    } else {
    }
    %dma_start3A = arith.constant 0 : i32
    %dma_start3A_36 = arith.constant 0 : i32
    %dma_start3A_37 = arith.constant 0 : i32
    %dma_start3A_38 = tpu.memref_slice %arg9[%dma_start3A, %dma_start3A_36, %dma_start3A_37] : memref<3x4x128xi32, #tpu.memory_space<vmem>> -> memref<1x4x128xi32, #tpu.memory_space<vmem>>
    %dma_start3A_39 = tpu.memref_squeeze %dma_start3A_38 : memref<1x4x128xi32, #tpu.memory_space<vmem>> -> memref<4x128xi32, #tpu.memory_space<vmem>>
    %dma_start3A_40 = arith.constant 0 : i32
    %dma_start3A_41 = tpu.memref_slice %arg5[%add3A_26, %dma_start3A_40] : memref<6272x128xi32, #tpu.memory_space<hbm>> -> memref<4x128xi32, #tpu.memory_space<hbm>>
    %dma_start3A_42 = arith.constant 0 : i32
    %dma_start3A_43 = arith.constant 0 : i32
    %dma_start3A_44 = tpu.memref_slice %arg9[%dma_start3A, %dma_start3A_42, %dma_start3A_43] : memref<3x4x128xi32, #tpu.memory_space<vmem>> -> memref<1x4x128xi32, #tpu.memory_space<vmem>>
    %dma_start3A_45 = tpu.memref_squeeze %dma_start3A_44 : memref<1x4x128xi32, #tpu.memory_space<vmem>> -> memref<4x128xi32, #tpu.memory_space<vmem>>
    %dma_start3A_46 = arith.constant 0 : i32
    %dma_start3A_47 = tpu.memref_slice %arg5[%add3A_26, %dma_start3A_46] : memref<6272x128xi32, #tpu.memory_space<hbm>> -> memref<4x128xi32, #tpu.memory_space<hbm>>
    tpu.enqueue_dma source(%dma_start3A_47 : memref<4x128xi32, #tpu.memory_space<hbm>>) target(%dma_start3A_45 : memref<4x128xi32, #tpu.memory_space<vmem>>) target_semaphore(%arg12 : memref<!tpu.dma_semaphore, #tpu.memory_space<semaphore_mem>>)
    %add3A_48 = arith.constant 0 : i32
    %add3A_49 = arith.addi %mul3A_24, %add3A_48 : i32
    %dma_wait3A = arith.constant 0 : i32
    %dma_wait3A_50 = arith.constant 0 : i32
    %dma_wait3A_51 = arith.constant 0 : i32
    %dma_wait3A_52 = tpu.memref_slice %arg8[%dma_wait3A, %dma_wait3A_50, %dma_wait3A_51] : memref<3x4x128xi32, #tpu.memory_space<vmem>> -> memref<1x4x128xi32, #tpu.memory_space<vmem>>
    %dma_wait3A_53 = tpu.memref_squeeze %dma_wait3A_52 : memref<1x4x128xi32, #tpu.memory_space<vmem>> -> memref<4x128xi32, #tpu.memory_space<vmem>>
    %dma_wait3A_54 = arith.constant 0 : i32
    %dma_wait3A_55 = tpu.memref_slice %arg3[%add3A_49, %dma_wait3A_54] : memref<6272x128xi32, #tpu.memory_space<hbm>> -> memref<4x128xi32, #tpu.memory_space<hbm>>
    %dma_wait3A_56 = arith.constant 0 : i32
    %dma_wait3A_57 = arith.constant 0 : i32
    %dma_wait3A_58 = tpu.memref_slice %arg8[%dma_wait3A, %dma_wait3A_56, %dma_wait3A_57] : memref<3x4x128xi32, #tpu.memory_space<vmem>> -> memref<1x4x128xi32, #tpu.memory_space<vmem>>
    %dma_wait3A_59 = tpu.memref_squeeze %dma_wait3A_58 : memref<1x4x128xi32, #tpu.memory_space<vmem>> -> memref<4x128xi32, #tpu.memory_space<vmem>>
    %dma_wait3A_60 = arith.constant 0 : i32
    %dma_wait3A_61 = tpu.memref_slice %arg3[%add3A_49, %dma_wait3A_60] : memref<6272x128xi32, #tpu.memory_space<hbm>> -> memref<4x128xi32, #tpu.memory_space<hbm>>
    tpu.wait_dma2 semaphore(%arg12 : memref<!tpu.dma_semaphore, #tpu.memory_space<semaphore_mem>>) src(%dma_wait3A_61 : memref<4x128xi32, #tpu.memory_space<hbm>>) dst(%dma_wait3A_59 : memref<4x128xi32, #tpu.memory_space<vmem>>)
    %dma_wait3A_62 = arith.constant 0 : i32
    %dma_wait3A_63 = arith.constant 0 : i32
    %dma_wait3A_64 = arith.constant 0 : i32
    %dma_wait3A_65 = tpu.memref_slice %arg9[%dma_wait3A_62, %dma_wait3A_63, %dma_wait3A_64] : memref<3x4x128xi32, #tpu.memory_space<vmem>> -> memref<1x4x128xi32, #tpu.memory_space<vmem>>
    %dma_wait3A_66 = tpu.memref_squeeze %dma_wait3A_65 : memref<1x4x128xi32, #tpu.memory_space<vmem>> -> memref<4x128xi32, #tpu.memory_space<vmem>>
    %dma_wait3A_67 = arith.constant 0 : i32
    %dma_wait3A_68 = tpu.memref_slice %arg5[%add3A_49, %dma_wait3A_67] : memref<6272x128xi32, #tpu.memory_space<hbm>> -> memref<4x128xi32, #tpu.memory_space<hbm>>
    %dma_wait3A_69 = arith.constant 0 : i32
    %dma_wait3A_70 = arith.constant 0 : i32
    %dma_wait3A_71 = tpu.memref_slice %arg9[%dma_wait3A_62, %dma_wait3A_69, %dma_wait3A_70] : memref<3x4x128xi32, #tpu.memory_space<vmem>> -> memref<1x4x128xi32, #tpu.memory_space<vmem>>
    %dma_wait3A_72 = tpu.memref_squeeze %dma_wait3A_71 : memref<1x4x128xi32, #tpu.memory_space<vmem>> -> memref<4x128xi32, #tpu.memory_space<vmem>>
    %dma_wait3A_73 = arith.constant 0 : i32
    %dma_wait3A_74 = tpu.memref_slice %arg5[%add3A_49, %dma_wait3A_73] : memref<6272x128xi32, #tpu.memory_space<hbm>> -> memref<4x128xi32, #tpu.memory_space<hbm>>
    tpu.wait_dma2 semaphore(%arg12 : memref<!tpu.dma_semaphore, #tpu.memory_space<semaphore_mem>>) src(%dma_wait3A_74 : memref<4x128xi32, #tpu.memory_space<hbm>>) dst(%dma_wait3A_72 : memref<4x128xi32, #tpu.memory_space<vmem>>)
    %dma_start3A_75 = arith.constant 0 : i32
    %dma_start3A_76 = arith.constant 0 : i32
    %dma_start3A_77 = arith.constant 0 : i32
    %dma_start3A_78 = arith.constant 0 : i32
    %dma_start3A_79 = arith.constant 0 : i32
    %dma_start3A_80 = tpu.memref_slice %arg10[%dma_start3A_77, %dma_start3A_78, %dma_start3A_79] : memref<4x128x32xf32, #tpu.memory_space<vmem>> -> memref<1x128x32xf32, #tpu.memory_space<vmem>>
    %dma_start3A_81 = tpu.memref_squeeze %dma_start3A_80 : memref<1x128x32xf32, #tpu.memory_space<vmem>> -> memref<128x32xf32, #tpu.memory_space<vmem>>
    %dma_start3A_82 = arith.constant 0 : i32
    %dma_start3A_83 = tpu.memref_slice %arg8[%dma_start3A_75, %dma_start3A_76, %dma_start3A_82] : memref<3x4x128xi32, #tpu.memory_space<vmem>> -> memref<1x1x128xi32, #tpu.memory_space<vmem>>
    %dma_start3A_84 = tpu.memref_squeeze %dma_start3A_83 : memref<1x1x128xi32, #tpu.memory_space<vmem>> -> memref<128xi32, #tpu.memory_space<vmem>>
    %dma_start3A_85 = arith.constant 0 : i32
    %dma_start3A_86 = arith.constant 0 : i32
    %dma_start3A_87 = tpu.memref_slice %arg2[%dma_start3A_85, %dma_start3A_86] : memref<100000x32xf32, #tpu.memory_space<hbm>> -> memref<100000x32xf32, #tpu.memory_space<hbm>>
    tpu.enqueue_indirect_dma source(%dma_start3A_87 : memref<100000x32xf32, #tpu.memory_space<hbm>>) target(%dma_start3A_81 : memref<128x32xf32, #tpu.memory_space<vmem>>) offsets(%dma_start3A_84 : memref<128xi32, #tpu.memory_space<vmem>>) semaphore(%arg13 : memref<!tpu.dma_semaphore, #tpu.memory_space<semaphore_mem>>)
    %scan3A = arith.constant 0 : i32
    %scan3A_88 = arith.constant 0 : i32
    %scan3A_89 = arith.constant 98 : i32
    %scan3A_90 = arith.addi %scan3A_88, %scan3A_89 : i32
    %scan3A_91 = arith.constant 1 : i32
    scf.for %scan3A_174 = %scan3A_88 to %scan3A_90 step %scan3A_91  : i32 {
      %rem3A = arith.constant 3 : i32
      %rem3A_175 = arith.remsi %scan3A_174, %rem3A : i32
      %add3A_176 = arith.constant 1 : i32
      %add3A_177 = arith.addi %scan3A_174, %add3A_176 : i32
      %rem3A_178 = arith.constant 3 : i32
      %rem3A_179 = arith.remsi %add3A_177, %rem3A_178 : i32
      %add3A_180 = arith.constant 2 : i32
      %add3A_181 = arith.addi %scan3A_174, %add3A_180 : i32
      %rem3A_182 = arith.constant 3 : i32
      %rem3A_183 = arith.remsi %add3A_181, %rem3A_182 : i32
      %lt3A_184 = arith.constant 97 : i32
      %lt3A_185 = arith.cmpi slt, %scan3A_174, %lt3A_184 : i32
      %convert_element_type3A_186 = arith.extui %lt3A_185 : i1 to i32
      %cond3A_187 = arith.constant 0 : i32
      %cond3A_188 = arith.cmpi ne, %convert_element_type3A_186, %cond3A_187 : i32
      scf.if %cond3A_188 {
        %add3A_340 = arith.constant 1 : i32
        %add3A_341 = arith.addi %scan3A_174, %add3A_340 : i32
        %mul3A_342 = arith.constant 4 : i32
        %mul3A_343 = arith.muli %add3A_341, %mul3A_342 : i32
        %add3A_344 = arith.addi %mul3A_24, %mul3A_343 : i32
        %eq3A_345 = arith.constant 0 : i32
        %eq3A_346 = arith.cmpi eq, %arg0, %eq3A_345 : i32
        %convert_element_type3A_347 = arith.extui %eq3A_346 : i1 to i32
        %cond3A_348 = arith.constant 0 : i32
        %cond3A_349 = arith.cmpi ne, %convert_element_type3A_347, %cond3A_348 : i32
        scf.if %cond3A_349 {
          %dma_start3A_367 = arith.constant 0 : i32
          %dma_start3A_368 = arith.constant 0 : i32
          %dma_start3A_369 = tpu.memref_slice %arg8[%rem3A_179, %dma_start3A_367, %dma_start3A_368] : memref<3x4x128xi32, #tpu.memory_space<vmem>> -> memref<1x4x128xi32, #tpu.memory_space<vmem>>
          %dma_start3A_370 = tpu.memref_squeeze %dma_start3A_369 : memref<1x4x128xi32, #tpu.memory_space<vmem>> -> memref<4x128xi32, #tpu.memory_space<vmem>>
          %dma_start3A_371 = arith.constant 0 : i32
          %dma_start3A_372 = tpu.memref_slice %arg3[%add3A_344, %dma_start3A_371] : memref<6272x128xi32, #tpu.memory_space<hbm>> -> memref<4x128xi32, #tpu.memory_space<hbm>>
          %dma_start3A_373 = arith.constant 0 : i32
          %dma_start3A_374 = arith.constant 0 : i32
          %dma_start3A_375 = tpu.memref_slice %arg8[%rem3A_179, %dma_start3A_373, %dma_start3A_374] : memref<3x4x128xi32, #tpu.memory_space<vmem>> -> memref<1x4x128xi32, #tpu.memory_space<vmem>>
          %dma_start3A_376 = tpu.memref_squeeze %dma_start3A_375 : memref<1x4x128xi32, #tpu.memory_space<vmem>> -> memref<4x128xi32, #tpu.memory_space<vmem>>
          %dma_start3A_377 = arith.constant 0 : i32
          %dma_start3A_378 = tpu.memref_slice %arg3[%add3A_344, %dma_start3A_377] : memref<6272x128xi32, #tpu.memory_space<hbm>> -> memref<4x128xi32, #tpu.memory_space<hbm>>
          tpu.enqueue_dma source(%dma_start3A_378 : memref<4x128xi32, #tpu.memory_space<hbm>>) target(%dma_start3A_376 : memref<4x128xi32, #tpu.memory_space<vmem>>) target_semaphore(%arg12 : memref<!tpu.dma_semaphore, #tpu.memory_space<semaphore_mem>>)
        } else {
        }
        %eq3A_350 = arith.constant 1 : i32
        %eq3A_351 = arith.cmpi eq, %arg0, %eq3A_350 : i32
        %convert_element_type3A_352 = arith.extui %eq3A_351 : i1 to i32
        %cond3A_353 = arith.constant 0 : i32
        %cond3A_354 = arith.cmpi ne, %convert_element_type3A_352, %cond3A_353 : i32
        scf.if %cond3A_354 {
          %dma_start3A_367 = arith.constant 0 : i32
          %dma_start3A_368 = arith.constant 0 : i32
          %dma_start3A_369 = tpu.memref_slice %arg8[%rem3A_179, %dma_start3A_367, %dma_start3A_368] : memref<3x4x128xi32, #tpu.memory_space<vmem>> -> memref<1x4x128xi32, #tpu.memory_space<vmem>>
          %dma_start3A_370 = tpu.memref_squeeze %dma_start3A_369 : memref<1x4x128xi32, #tpu.memory_space<vmem>> -> memref<4x128xi32, #tpu.memory_space<vmem>>
          %dma_start3A_371 = arith.constant 0 : i32
          %dma_start3A_372 = tpu.memref_slice %arg4[%add3A_344, %dma_start3A_371] : memref<6272x128xi32, #tpu.memory_space<hbm>> -> memref<4x128xi32, #tpu.memory_space<hbm>>
          %dma_start3A_373 = arith.constant 0 : i32
          %dma_start3A_374 = arith.constant 0 : i32
          %dma_start3A_375 = tpu.memref_slice %arg8[%rem3A_179, %dma_start3A_373, %dma_start3A_374] : memref<3x4x128xi32, #tpu.memory_space<vmem>> -> memref<1x4x128xi32, #tpu.memory_space<vmem>>
          %dma_start3A_376 = tpu.memref_squeeze %dma_start3A_375 : memref<1x4x128xi32, #tpu.memory_space<vmem>> -> memref<4x128xi32, #tpu.memory_space<vmem>>
          %dma_start3A_377 = arith.constant 0 : i32
          %dma_start3A_378 = tpu.memref_slice %arg4[%add3A_344, %dma_start3A_377] : memref<6272x128xi32, #tpu.memory_space<hbm>> -> memref<4x128xi32, #tpu.memory_space<hbm>>
          tpu.enqueue_dma source(%dma_start3A_378 : memref<4x128xi32, #tpu.memory_space<hbm>>) target(%dma_start3A_376 : memref<4x128xi32, #tpu.memory_space<vmem>>) target_semaphore(%arg12 : memref<!tpu.dma_semaphore, #tpu.memory_space<semaphore_mem>>)
        } else {
        }
        %dma_start3A_355 = arith.constant 0 : i32
        %dma_start3A_356 = arith.constant 0 : i32
        %dma_start3A_357 = tpu.memref_slice %arg9[%rem3A_179, %dma_start3A_355, %dma_start3A_356] : memref<3x4x128xi32, #tpu.memory_space<vmem>> -> memref<1x4x128xi32, #tpu.memory_space<vmem>>
        %dma_start3A_358 = tpu.memref_squeeze %dma_start3A_357 : memref<1x4x128xi32, #tpu.memory_space<vmem>> -> memref<4x128xi32, #tpu.memory_space<vmem>>
        %dma_start3A_359 = arith.constant 0 : i32
        %dma_start3A_360 = tpu.memref_slice %arg5[%add3A_344, %dma_start3A_359] : memref<6272x128xi32, #tpu.memory_space<hbm>> -> memref<4x128xi32, #tpu.memory_space<hbm>>
        %dma_start3A_361 = arith.constant 0 : i32
        %dma_start3A_362 = arith.constant 0 : i32
        %dma_start3A_363 = tpu.memref_slice %arg9[%rem3A_179, %dma_start3A_361, %dma_start3A_362] : memref<3x4x128xi32, #tpu.memory_space<vmem>> -> memref<1x4x128xi32, #tpu.memory_space<vmem>>
        %dma_start3A_364 = tpu.memref_squeeze %dma_start3A_363 : memref<1x4x128xi32, #tpu.memory_space<vmem>> -> memref<4x128xi32, #tpu.memory_space<vmem>>
        %dma_start3A_365 = arith.constant 0 : i32
        %dma_start3A_366 = tpu.memref_slice %arg5[%add3A_344, %dma_start3A_365] : memref<6272x128xi32, #tpu.memory_space<hbm>> -> memref<4x128xi32, #tpu.memory_space<hbm>>
        tpu.enqueue_dma source(%dma_start3A_366 : memref<4x128xi32, #tpu.memory_space<hbm>>) target(%dma_start3A_364 : memref<4x128xi32, #tpu.memory_space<vmem>>) target_semaphore(%arg12 : memref<!tpu.dma_semaphore, #tpu.memory_space<semaphore_mem>>)
      } else {
      }
      %gt3A = arith.constant 0 : i32
      %gt3A_189 = arith.cmpi sgt, %scan3A_174, %gt3A : i32
      %convert_element_type3A_190 = arith.extui %gt3A_189 : i1 to i32
      %cond3A_191 = arith.constant 0 : i32
      %cond3A_192 = arith.cmpi ne, %convert_element_type3A_190, %cond3A_191 : i32
      scf.if %cond3A_192 {
        %dma_wait3A_340 = arith.constant 1 : i32
        %dma_wait3A_341 = arith.constant 1 : i32
        %dma_wait3A_342 = arith.constant 0 : i32
        %dma_wait3A_343 = arith.constant 0 : i32
        %dma_wait3A_344 = tpu.memref_slice %arg10[%dma_wait3A_340, %dma_wait3A_342, %dma_wait3A_343] : memref<4x128x32xf32, #tpu.memory_space<vmem>> -> memref<1x128x32xf32, #tpu.memory_space<vmem>>
        %dma_wait3A_345 = tpu.memref_squeeze %dma_wait3A_344 : memref<1x128x32xf32, #tpu.memory_space<vmem>> -> memref<128x32xf32, #tpu.memory_space<vmem>>
        %dma_wait3A_346 = arith.constant 0 : i32
        %dma_wait3A_347 = tpu.memref_slice %arg9[%rem3A_183, %dma_wait3A_341, %dma_wait3A_346] : memref<3x4x128xi32, #tpu.memory_space<vmem>> -> memref<1x1x128xi32, #tpu.memory_space<vmem>>
        %dma_wait3A_348 = tpu.memref_squeeze %dma_wait3A_347 : memref<1x1x128xi32, #tpu.memory_space<vmem>> -> memref<128xi32, #tpu.memory_space<vmem>>
        %dma_wait3A_349 = arith.constant 0 : i32
        %dma_wait3A_350 = arith.constant 0 : i32
        %dma_wait3A_351 = tpu.memref_slice %arg11[%dma_wait3A_349, %dma_wait3A_350] : memref<50008x32xf32, #tpu.memory_space<vmem_shared>> -> memref<50008x32xf32, #tpu.memory_space<vmem_shared>>
        tpu.wait_indirect_dma semaphore(%arg18 : memref<!tpu.dma_semaphore, #tpu.memory_space<semaphore_mem>>) src(%dma_wait3A_345 : memref<128x32xf32, #tpu.memory_space<vmem>>) dst(%dma_wait3A_351 : memref<50008x32xf32, #tpu.memory_space<vmem_shared>>)
      } else {
      }
      %dma_start3A_193 = arith.constant 1 : i32
      %dma_start3A_194 = arith.constant 1 : i32
      %dma_start3A_195 = arith.constant 0 : i32
      %dma_start3A_196 = arith.constant 0 : i32
      %dma_start3A_197 = tpu.memref_slice %arg10[%dma_start3A_194, %dma_start3A_195, %dma_start3A_196] : memref<4x128x32xf32, #tpu.memory_space<vmem>> -> memref<1x128x32xf32, #tpu.memory_space<vmem>>
      %dma_start3A_198 = tpu.memref_squeeze %dma_start3A_197 : memref<1x128x32xf32, #tpu.memory_space<vmem>> -> memref<128x32xf32, #tpu.memory_space<vmem>>
      %dma_start3A_199 = arith.constant 0 : i32
      %dma_start3A_200 = tpu.memref_slice %arg8[%rem3A_175, %dma_start3A_193, %dma_start3A_199] : memref<3x4x128xi32, #tpu.memory_space<vmem>> -> memref<1x1x128xi32, #tpu.memory_space<vmem>>
      %dma_start3A_201 = tpu.memref_squeeze %dma_start3A_200 : memref<1x1x128xi32, #tpu.memory_space<vmem>> -> memref<128xi32, #tpu.memory_space<vmem>>
      %dma_start3A_202 = arith.constant 0 : i32
      %dma_start3A_203 = arith.constant 0 : i32
      %dma_start3A_204 = tpu.memref_slice %arg2[%dma_start3A_202, %dma_start3A_203] : memref<100000x32xf32, #tpu.memory_space<hbm>> -> memref<100000x32xf32, #tpu.memory_space<hbm>>
      tpu.enqueue_indirect_dma source(%dma_start3A_204 : memref<100000x32xf32, #tpu.memory_space<hbm>>) target(%dma_start3A_198 : memref<128x32xf32, #tpu.memory_space<vmem>>) offsets(%dma_start3A_201 : memref<128xi32, #tpu.memory_space<vmem>>) semaphore(%arg14 : memref<!tpu.dma_semaphore, #tpu.memory_space<semaphore_mem>>)
      %dma_wait3A_205 = arith.constant 0 : i32
      %dma_wait3A_206 = arith.constant 0 : i32
      %dma_wait3A_207 = arith.constant 0 : i32
      %dma_wait3A_208 = arith.constant 0 : i32
      %dma_wait3A_209 = tpu.memref_slice %arg10[%dma_wait3A_206, %dma_wait3A_207, %dma_wait3A_208] : memref<4x128x32xf32, #tpu.memory_space<vmem>> -> memref<1x128x32xf32, #tpu.memory_space<vmem>>
      %dma_wait3A_210 = tpu.memref_squeeze %dma_wait3A_209 : memref<1x128x32xf32, #tpu.memory_space<vmem>> -> memref<128x32xf32, #tpu.memory_space<vmem>>
      %dma_wait3A_211 = arith.constant 0 : i32
      %dma_wait3A_212 = tpu.memref_slice %arg8[%rem3A_175, %dma_wait3A_205, %dma_wait3A_211] : memref<3x4x128xi32, #tpu.memory_space<vmem>> -> memref<1x1x128xi32, #tpu.memory_space<vmem>>
      %dma_wait3A_213 = tpu.memref_squeeze %dma_wait3A_212 : memref<1x1x128xi32, #tpu.memory_space<vmem>> -> memref<128xi32, #tpu.memory_space<vmem>>
      %dma_wait3A_214 = arith.constant 0 : i32
      %dma_wait3A_215 = arith.constant 0 : i32
      %dma_wait3A_216 = tpu.memref_slice %arg2[%dma_wait3A_214, %dma_wait3A_215] : memref<100000x32xf32, #tpu.memory_space<hbm>> -> memref<100000x32xf32, #tpu.memory_space<hbm>>
      tpu.wait_indirect_dma semaphore(%arg13 : memref<!tpu.dma_semaphore, #tpu.memory_space<semaphore_mem>>) src(%dma_wait3A_216 : memref<100000x32xf32, #tpu.memory_space<hbm>>) dst(%dma_wait3A_210 : memref<128x32xf32, #tpu.memory_space<vmem>>)
      %dma_start3A_217 = arith.constant 0 : i32
      %dma_start3A_218 = arith.constant 0 : i32
      %dma_start3A_219 = arith.constant 0 : i32
      %dma_start3A_220 = arith.constant 0 : i32
      %dma_start3A_221 = tpu.memref_slice %arg10[%dma_start3A_217, %dma_start3A_219, %dma_start3A_220] : memref<4x128x32xf32, #tpu.memory_space<vmem>> -> memref<1x128x32xf32, #tpu.memory_space<vmem>>
      %dma_start3A_222 = tpu.memref_squeeze %dma_start3A_221 : memref<1x128x32xf32, #tpu.memory_space<vmem>> -> memref<128x32xf32, #tpu.memory_space<vmem>>
      %dma_start3A_223 = arith.constant 0 : i32
      %dma_start3A_224 = tpu.memref_slice %arg9[%rem3A_175, %dma_start3A_218, %dma_start3A_223] : memref<3x4x128xi32, #tpu.memory_space<vmem>> -> memref<1x1x128xi32, #tpu.memory_space<vmem>>
      %dma_start3A_225 = tpu.memref_squeeze %dma_start3A_224 : memref<1x1x128xi32, #tpu.memory_space<vmem>> -> memref<128xi32, #tpu.memory_space<vmem>>
      %dma_start3A_226 = arith.constant 0 : i32
      %dma_start3A_227 = arith.constant 0 : i32
      %dma_start3A_228 = tpu.memref_slice %arg11[%dma_start3A_226, %dma_start3A_227] : memref<50008x32xf32, #tpu.memory_space<vmem_shared>> -> memref<50008x32xf32, #tpu.memory_space<vmem_shared>>
      tpu.enqueue_indirect_dma source(%dma_start3A_222 : memref<128x32xf32, #tpu.memory_space<vmem>>) target(%dma_start3A_228 : memref<50008x32xf32, #tpu.memory_space<vmem_shared>>) offsets(%dma_start3A_225 : memref<128xi32, #tpu.memory_space<vmem>>) semaphore(%arg17 : memref<!tpu.dma_semaphore, #tpu.memory_space<semaphore_mem>>) {add = true}
      %gt3A_229 = arith.constant 0 : i32
      %gt3A_230 = arith.cmpi sgt, %scan3A_174, %gt3A_229 : i32
      %convert_element_type3A_231 = arith.extui %gt3A_230 : i1 to i32
      %cond3A_232 = arith.constant 0 : i32
      %cond3A_233 = arith.cmpi ne, %convert_element_type3A_231, %cond3A_232 : i32
      scf.if %cond3A_233 {
        %dma_wait3A_340 = arith.constant 2 : i32
        %dma_wait3A_341 = arith.constant 2 : i32
        %dma_wait3A_342 = arith.constant 0 : i32
        %dma_wait3A_343 = arith.constant 0 : i32
        %dma_wait3A_344 = tpu.memref_slice %arg10[%dma_wait3A_340, %dma_wait3A_342, %dma_wait3A_343] : memref<4x128x32xf32, #tpu.memory_space<vmem>> -> memref<1x128x32xf32, #tpu.memory_space<vmem>>
        %dma_wait3A_345 = tpu.memref_squeeze %dma_wait3A_344 : memref<1x128x32xf32, #tpu.memory_space<vmem>> -> memref<128x32xf32, #tpu.memory_space<vmem>>
        %dma_wait3A_346 = arith.constant 0 : i32
        %dma_wait3A_347 = tpu.memref_slice %arg9[%rem3A_183, %dma_wait3A_341, %dma_wait3A_346] : memref<3x4x128xi32, #tpu.memory_space<vmem>> -> memref<1x1x128xi32, #tpu.memory_space<vmem>>
        %dma_wait3A_348 = tpu.memref_squeeze %dma_wait3A_347 : memref<1x1x128xi32, #tpu.memory_space<vmem>> -> memref<128xi32, #tpu.memory_space<vmem>>
        %dma_wait3A_349 = arith.constant 0 : i32
        %dma_wait3A_350 = arith.constant 0 : i32
        %dma_wait3A_351 = tpu.memref_slice %arg11[%dma_wait3A_349, %dma_wait3A_350] : memref<50008x32xf32, #tpu.memory_space<vmem_shared>> -> memref<50008x32xf32, #tpu.memory_space<vmem_shared>>
        tpu.wait_indirect_dma semaphore(%arg19 : memref<!tpu.dma_semaphore, #tpu.memory_space<semaphore_mem>>) src(%dma_wait3A_345 : memref<128x32xf32, #tpu.memory_space<vmem>>) dst(%dma_wait3A_351 : memref<50008x32xf32, #tpu.memory_space<vmem_shared>>)
      } else {
      }
      %dma_start3A_234 = arith.constant 2 : i32
      %dma_start3A_235 = arith.constant 2 : i32
      %dma_start3A_236 = arith.constant 0 : i32
      %dma_start3A_237 = arith.constant 0 : i32
      %dma_start3A_238 = tpu.memref_slice %arg10[%dma_start3A_235, %dma_start3A_236, %dma_start3A_237] : memref<4x128x32xf32, #tpu.memory_space<vmem>> -> memref<1x128x32xf32, #tpu.memory_space<vmem>>
      %dma_start3A_239 = tpu.memref_squeeze %dma_start3A_238 : memref<1x128x32xf32, #tpu.memory_space<vmem>> -> memref<128x32xf32, #tpu.memory_space<vmem>>
      %dma_start3A_240 = arith.constant 0 : i32
      %dma_start3A_241 = tpu.memref_slice %arg8[%rem3A_175, %dma_start3A_234, %dma_start3A_240] : memref<3x4x128xi32, #tpu.memory_space<vmem>> -> memref<1x1x128xi32, #tpu.memory_space<vmem>>
      %dma_start3A_242 = tpu.memref_squeeze %dma_start3A_241 : memref<1x1x128xi32, #tpu.memory_space<vmem>> -> memref<128xi32, #tpu.memory_space<vmem>>
      %dma_start3A_243 = arith.constant 0 : i32
      %dma_start3A_244 = arith.constant 0 : i32
      %dma_start3A_245 = tpu.memref_slice %arg2[%dma_start3A_243, %dma_start3A_244] : memref<100000x32xf32, #tpu.memory_space<hbm>> -> memref<100000x32xf32, #tpu.memory_space<hbm>>
      tpu.enqueue_indirect_dma source(%dma_start3A_245 : memref<100000x32xf32, #tpu.memory_space<hbm>>) target(%dma_start3A_239 : memref<128x32xf32, #tpu.memory_space<vmem>>) offsets(%dma_start3A_242 : memref<128xi32, #tpu.memory_space<vmem>>) semaphore(%arg15 : memref<!tpu.dma_semaphore, #tpu.memory_space<semaphore_mem>>)
      %dma_wait3A_246 = arith.constant 1 : i32
      %dma_wait3A_247 = arith.constant 1 : i32
      %dma_wait3A_248 = arith.constant 0 : i32
      %dma_wait3A_249 = arith.constant 0 : i32
      %dma_wait3A_250 = tpu.memref_slice %arg10[%dma_wait3A_247, %dma_wait3A_248, %dma_wait3A_249] : memref<4x128x32xf32, #tpu.memory_space<vmem>> -> memref<1x128x32xf32, #tpu.memory_space<vmem>>
      %dma_wait3A_251 = tpu.memref_squeeze %dma_wait3A_250 : memref<1x128x32xf32, #tpu.memory_space<vmem>> -> memref<128x32xf32, #tpu.memory_space<vmem>>
      %dma_wait3A_252 = arith.constant 0 : i32
      %dma_wait3A_253 = tpu.memref_slice %arg8[%rem3A_175, %dma_wait3A_246, %dma_wait3A_252] : memref<3x4x128xi32, #tpu.memory_space<vmem>> -> memref<1x1x128xi32, #tpu.memory_space<vmem>>
      %dma_wait3A_254 = tpu.memref_squeeze %dma_wait3A_253 : memref<1x1x128xi32, #tpu.memory_space<vmem>> -> memref<128xi32, #tpu.memory_space<vmem>>
      %dma_wait3A_255 = arith.constant 0 : i32
      %dma_wait3A_256 = arith.constant 0 : i32
      %dma_wait3A_257 = tpu.memref_slice %arg2[%dma_wait3A_255, %dma_wait3A_256] : memref<100000x32xf32, #tpu.memory_space<hbm>> -> memref<100000x32xf32, #tpu.memory_space<hbm>>
      tpu.wait_indirect_dma semaphore(%arg14 : memref<!tpu.dma_semaphore, #tpu.memory_space<semaphore_mem>>) src(%dma_wait3A_257 : memref<100000x32xf32, #tpu.memory_space<hbm>>) dst(%dma_wait3A_251 : memref<128x32xf32, #tpu.memory_space<vmem>>)
      %dma_start3A_258 = arith.constant 1 : i32
      %dma_start3A_259 = arith.constant 1 : i32
      %dma_start3A_260 = arith.constant 0 : i32
      %dma_start3A_261 = arith.constant 0 : i32
      %dma_start3A_262 = tpu.memref_slice %arg10[%dma_start3A_258, %dma_start3A_260, %dma_start3A_261] : memref<4x128x32xf32, #tpu.memory_space<vmem>> -> memref<1x128x32xf32, #tpu.memory_space<vmem>>
      %dma_start3A_263 = tpu.memref_squeeze %dma_start3A_262 : memref<1x128x32xf32, #tpu.memory_space<vmem>> -> memref<128x32xf32, #tpu.memory_space<vmem>>
      %dma_start3A_264 = arith.constant 0 : i32
      %dma_start3A_265 = tpu.memref_slice %arg9[%rem3A_175, %dma_start3A_259, %dma_start3A_264] : memref<3x4x128xi32, #tpu.memory_space<vmem>> -> memref<1x1x128xi32, #tpu.memory_space<vmem>>
      %dma_start3A_266 = tpu.memref_squeeze %dma_start3A_265 : memref<1x1x128xi32, #tpu.memory_space<vmem>> -> memref<128xi32, #tpu.memory_space<vmem>>
      %dma_start3A_267 = arith.constant 0 : i32
      %dma_start3A_268 = arith.constant 0 : i32
      %dma_start3A_269 = tpu.memref_slice %arg11[%dma_start3A_267, %dma_start3A_268] : memref<50008x32xf32, #tpu.memory_space<vmem_shared>> -> memref<50008x32xf32, #tpu.memory_space<vmem_shared>>
      tpu.enqueue_indirect_dma source(%dma_start3A_263 : memref<128x32xf32, #tpu.memory_space<vmem>>) target(%dma_start3A_269 : memref<50008x32xf32, #tpu.memory_space<vmem_shared>>) offsets(%dma_start3A_266 : memref<128xi32, #tpu.memory_space<vmem>>) semaphore(%arg18 : memref<!tpu.dma_semaphore, #tpu.memory_space<semaphore_mem>>) {add = true}
      %gt3A_270 = arith.constant 0 : i32
      %gt3A_271 = arith.cmpi sgt, %scan3A_174, %gt3A_270 : i32
      %convert_element_type3A_272 = arith.extui %gt3A_271 : i1 to i32
      %cond3A_273 = arith.constant 0 : i32
      %cond3A_274 = arith.cmpi ne, %convert_element_type3A_272, %cond3A_273 : i32
      scf.if %cond3A_274 {
        %dma_wait3A_340 = arith.constant 3 : i32
        %dma_wait3A_341 = arith.constant 3 : i32
        %dma_wait3A_342 = arith.constant 0 : i32
        %dma_wait3A_343 = arith.constant 0 : i32
        %dma_wait3A_344 = tpu.memref_slice %arg10[%dma_wait3A_340, %dma_wait3A_342, %dma_wait3A_343] : memref<4x128x32xf32, #tpu.memory_space<vmem>> -> memref<1x128x32xf32, #tpu.memory_space<vmem>>
        %dma_wait3A_345 = tpu.memref_squeeze %dma_wait3A_344 : memref<1x128x32xf32, #tpu.memory_space<vmem>> -> memref<128x32xf32, #tpu.memory_space<vmem>>
        %dma_wait3A_346 = arith.constant 0 : i32
        %dma_wait3A_347 = tpu.memref_slice %arg9[%rem3A_183, %dma_wait3A_341, %dma_wait3A_346] : memref<3x4x128xi32, #tpu.memory_space<vmem>> -> memref<1x1x128xi32, #tpu.memory_space<vmem>>
        %dma_wait3A_348 = tpu.memref_squeeze %dma_wait3A_347 : memref<1x1x128xi32, #tpu.memory_space<vmem>> -> memref<128xi32, #tpu.memory_space<vmem>>
        %dma_wait3A_349 = arith.constant 0 : i32
        %dma_wait3A_350 = arith.constant 0 : i32
        %dma_wait3A_351 = tpu.memref_slice %arg11[%dma_wait3A_349, %dma_wait3A_350] : memref<50008x32xf32, #tpu.memory_space<vmem_shared>> -> memref<50008x32xf32, #tpu.memory_space<vmem_shared>>
        tpu.wait_indirect_dma semaphore(%arg20 : memref<!tpu.dma_semaphore, #tpu.memory_space<semaphore_mem>>) src(%dma_wait3A_345 : memref<128x32xf32, #tpu.memory_space<vmem>>) dst(%dma_wait3A_351 : memref<50008x32xf32, #tpu.memory_space<vmem_shared>>)
      } else {
      }
      %dma_start3A_275 = arith.constant 3 : i32
      %dma_start3A_276 = arith.constant 3 : i32
      %dma_start3A_277 = arith.constant 0 : i32
      %dma_start3A_278 = arith.constant 0 : i32
      %dma_start3A_279 = tpu.memref_slice %arg10[%dma_start3A_276, %dma_start3A_277, %dma_start3A_278] : memref<4x128x32xf32, #tpu.memory_space<vmem>> -> memref<1x128x32xf32, #tpu.memory_space<vmem>>
      %dma_start3A_280 = tpu.memref_squeeze %dma_start3A_279 : memref<1x128x32xf32, #tpu.memory_space<vmem>> -> memref<128x32xf32, #tpu.memory_space<vmem>>
      %dma_start3A_281 = arith.constant 0 : i32
      %dma_start3A_282 = tpu.memref_slice %arg8[%rem3A_175, %dma_start3A_275, %dma_start3A_281] : memref<3x4x128xi32, #tpu.memory_space<vmem>> -> memref<1x1x128xi32, #tpu.memory_space<vmem>>
      %dma_start3A_283 = tpu.memref_squeeze %dma_start3A_282 : memref<1x1x128xi32, #tpu.memory_space<vmem>> -> memref<128xi32, #tpu.memory_space<vmem>>
      %dma_start3A_284 = arith.constant 0 : i32
      %dma_start3A_285 = arith.constant 0 : i32
      %dma_start3A_286 = tpu.memref_slice %arg2[%dma_start3A_284, %dma_start3A_285] : memref<100000x32xf32, #tpu.memory_space<hbm>> -> memref<100000x32xf32, #tpu.memory_space<hbm>>
      tpu.enqueue_indirect_dma source(%dma_start3A_286 : memref<100000x32xf32, #tpu.memory_space<hbm>>) target(%dma_start3A_280 : memref<128x32xf32, #tpu.memory_space<vmem>>) offsets(%dma_start3A_283 : memref<128xi32, #tpu.memory_space<vmem>>) semaphore(%arg16 : memref<!tpu.dma_semaphore, #tpu.memory_space<semaphore_mem>>)
      %dma_wait3A_287 = arith.constant 2 : i32
      %dma_wait3A_288 = arith.constant 2 : i32
      %dma_wait3A_289 = arith.constant 0 : i32
      %dma_wait3A_290 = arith.constant 0 : i32
      %dma_wait3A_291 = tpu.memref_slice %arg10[%dma_wait3A_288, %dma_wait3A_289, %dma_wait3A_290] : memref<4x128x32xf32, #tpu.memory_space<vmem>> -> memref<1x128x32xf32, #tpu.memory_space<vmem>>
      %dma_wait3A_292 = tpu.memref_squeeze %dma_wait3A_291 : memref<1x128x32xf32, #tpu.memory_space<vmem>> -> memref<128x32xf32, #tpu.memory_space<vmem>>
      %dma_wait3A_293 = arith.constant 0 : i32
      %dma_wait3A_294 = tpu.memref_slice %arg8[%rem3A_175, %dma_wait3A_287, %dma_wait3A_293] : memref<3x4x128xi32, #tpu.memory_space<vmem>> -> memref<1x1x128xi32, #tpu.memory_space<vmem>>
      %dma_wait3A_295 = tpu.memref_squeeze %dma_wait3A_294 : memref<1x1x128xi32, #tpu.memory_space<vmem>> -> memref<128xi32, #tpu.memory_space<vmem>>
      %dma_wait3A_296 = arith.constant 0 : i32
      %dma_wait3A_297 = arith.constant 0 : i32
      %dma_wait3A_298 = tpu.memref_slice %arg2[%dma_wait3A_296, %dma_wait3A_297] : memref<100000x32xf32, #tpu.memory_space<hbm>> -> memref<100000x32xf32, #tpu.memory_space<hbm>>
      tpu.wait_indirect_dma semaphore(%arg15 : memref<!tpu.dma_semaphore, #tpu.memory_space<semaphore_mem>>) src(%dma_wait3A_298 : memref<100000x32xf32, #tpu.memory_space<hbm>>) dst(%dma_wait3A_292 : memref<128x32xf32, #tpu.memory_space<vmem>>)
      %dma_start3A_299 = arith.constant 2 : i32
      %dma_start3A_300 = arith.constant 2 : i32
      %dma_start3A_301 = arith.constant 0 : i32
      %dma_start3A_302 = arith.constant 0 : i32
      %dma_start3A_303 = tpu.memref_slice %arg10[%dma_start3A_299, %dma_start3A_301, %dma_start3A_302] : memref<4x128x32xf32, #tpu.memory_space<vmem>> -> memref<1x128x32xf32, #tpu.memory_space<vmem>>
      %dma_start3A_304 = tpu.memref_squeeze %dma_start3A_303 : memref<1x128x32xf32, #tpu.memory_space<vmem>> -> memref<128x32xf32, #tpu.memory_space<vmem>>
      %dma_start3A_305 = arith.constant 0 : i32
      %dma_start3A_306 = tpu.memref_slice %arg9[%rem3A_175, %dma_start3A_300, %dma_start3A_305] : memref<3x4x128xi32, #tpu.memory_space<vmem>> -> memref<1x1x128xi32, #tpu.memory_space<vmem>>
      %dma_start3A_307 = tpu.memref_squeeze %dma_start3A_306 : memref<1x1x128xi32, #tpu.memory_space<vmem>> -> memref<128xi32, #tpu.memory_space<vmem>>
      %dma_start3A_308 = arith.constant 0 : i32
      %dma_start3A_309 = arith.constant 0 : i32
      %dma_start3A_310 = tpu.memref_slice %arg11[%dma_start3A_308, %dma_start3A_309] : memref<50008x32xf32, #tpu.memory_space<vmem_shared>> -> memref<50008x32xf32, #tpu.memory_space<vmem_shared>>
      tpu.enqueue_indirect_dma source(%dma_start3A_304 : memref<128x32xf32, #tpu.memory_space<vmem>>) target(%dma_start3A_310 : memref<50008x32xf32, #tpu.memory_space<vmem_shared>>) offsets(%dma_start3A_307 : memref<128xi32, #tpu.memory_space<vmem>>) semaphore(%arg19 : memref<!tpu.dma_semaphore, #tpu.memory_space<semaphore_mem>>) {add = true}
      %lt3A_311 = arith.constant 97 : i32
      %lt3A_312 = arith.cmpi slt, %scan3A_174, %lt3A_311 : i32
      %convert_element_type3A_313 = arith.extui %lt3A_312 : i1 to i32
      %cond3A_314 = arith.constant 0 : i32
      %cond3A_315 = arith.cmpi ne, %convert_element_type3A_313, %cond3A_314 : i32
      scf.if %cond3A_315 {
        %add3A_340 = arith.constant 1 : i32
        %add3A_341 = arith.addi %scan3A_174, %add3A_340 : i32
        %mul3A_342 = arith.constant 4 : i32
        %mul3A_343 = arith.muli %add3A_341, %mul3A_342 : i32
        %add3A_344 = arith.addi %mul3A_24, %mul3A_343 : i32
        %dma_wait3A_345 = arith.constant 0 : i32
        %dma_wait3A_346 = arith.constant 0 : i32
        %dma_wait3A_347 = tpu.memref_slice %arg8[%rem3A_179, %dma_wait3A_345, %dma_wait3A_346] : memref<3x4x128xi32, #tpu.memory_space<vmem>> -> memref<1x4x128xi32, #tpu.memory_space<vmem>>
        %dma_wait3A_348 = tpu.memref_squeeze %dma_wait3A_347 : memref<1x4x128xi32, #tpu.memory_space<vmem>> -> memref<4x128xi32, #tpu.memory_space<vmem>>
        %dma_wait3A_349 = arith.constant 0 : i32
        %dma_wait3A_350 = tpu.memref_slice %arg3[%add3A_344, %dma_wait3A_349] : memref<6272x128xi32, #tpu.memory_space<hbm>> -> memref<4x128xi32, #tpu.memory_space<hbm>>
        %dma_wait3A_351 = arith.constant 0 : i32
        %dma_wait3A_352 = arith.constant 0 : i32
        %dma_wait3A_353 = tpu.memref_slice %arg8[%rem3A_179, %dma_wait3A_351, %dma_wait3A_352] : memref<3x4x128xi32, #tpu.memory_space<vmem>> -> memref<1x4x128xi32, #tpu.memory_space<vmem>>
        %dma_wait3A_354 = tpu.memref_squeeze %dma_wait3A_353 : memref<1x4x128xi32, #tpu.memory_space<vmem>> -> memref<4x128xi32, #tpu.memory_space<vmem>>
        %dma_wait3A_355 = arith.constant 0 : i32
        %dma_wait3A_356 = tpu.memref_slice %arg3[%add3A_344, %dma_wait3A_355] : memref<6272x128xi32, #tpu.memory_space<hbm>> -> memref<4x128xi32, #tpu.memory_space<hbm>>
        tpu.wait_dma2 semaphore(%arg12 : memref<!tpu.dma_semaphore, #tpu.memory_space<semaphore_mem>>) src(%dma_wait3A_356 : memref<4x128xi32, #tpu.memory_space<hbm>>) dst(%dma_wait3A_354 : memref<4x128xi32, #tpu.memory_space<vmem>>)
        %dma_wait3A_357 = arith.constant 0 : i32
        %dma_wait3A_358 = arith.constant 0 : i32
        %dma_wait3A_359 = tpu.memref_slice %arg9[%rem3A_179, %dma_wait3A_357, %dma_wait3A_358] : memref<3x4x128xi32, #tpu.memory_space<vmem>> -> memref<1x4x128xi32, #tpu.memory_space<vmem>>
        %dma_wait3A_360 = tpu.memref_squeeze %dma_wait3A_359 : memref<1x4x128xi32, #tpu.memory_space<vmem>> -> memref<4x128xi32, #tpu.memory_space<vmem>>
        %dma_wait3A_361 = arith.constant 0 : i32
        %dma_wait3A_362 = tpu.memref_slice %arg5[%add3A_344, %dma_wait3A_361] : memref<6272x128xi32, #tpu.memory_space<hbm>> -> memref<4x128xi32, #tpu.memory_space<hbm>>
        %dma_wait3A_363 = arith.constant 0 : i32
        %dma_wait3A_364 = arith.constant 0 : i32
        %dma_wait3A_365 = tpu.memref_slice %arg9[%rem3A_179, %dma_wait3A_363, %dma_wait3A_364] : memref<3x4x128xi32, #tpu.memory_space<vmem>> -> memref<1x4x128xi32, #tpu.memory_space<vmem>>
        %dma_wait3A_366 = tpu.memref_squeeze %dma_wait3A_365 : memref<1x4x128xi32, #tpu.memory_space<vmem>> -> memref<4x128xi32, #tpu.memory_space<vmem>>
        %dma_wait3A_367 = arith.constant 0 : i32
        %dma_wait3A_368 = tpu.memref_slice %arg5[%add3A_344, %dma_wait3A_367] : memref<6272x128xi32, #tpu.memory_space<hbm>> -> memref<4x128xi32, #tpu.memory_space<hbm>>
        tpu.wait_dma2 semaphore(%arg12 : memref<!tpu.dma_semaphore, #tpu.memory_space<semaphore_mem>>) src(%dma_wait3A_368 : memref<4x128xi32, #tpu.memory_space<hbm>>) dst(%dma_wait3A_366 : memref<4x128xi32, #tpu.memory_space<vmem>>)
        %dma_wait3A_369 = arith.constant 0 : i32
        %dma_wait3A_370 = arith.constant 0 : i32
        %dma_wait3A_371 = arith.constant 0 : i32
        %dma_wait3A_372 = arith.constant 0 : i32
        %dma_wait3A_373 = tpu.memref_slice %arg10[%dma_wait3A_369, %dma_wait3A_371, %dma_wait3A_372] : memref<4x128x32xf32, #tpu.memory_space<vmem>> -> memref<1x128x32xf32, #tpu.memory_space<vmem>>
        %dma_wait3A_374 = tpu.memref_squeeze %dma_wait3A_373 : memref<1x128x32xf32, #tpu.memory_space<vmem>> -> memref<128x32xf32, #tpu.memory_space<vmem>>
        %dma_wait3A_375 = arith.constant 0 : i32
        %dma_wait3A_376 = tpu.memref_slice %arg9[%rem3A_175, %dma_wait3A_370, %dma_wait3A_375] : memref<3x4x128xi32, #tpu.memory_space<vmem>> -> memref<1x1x128xi32, #tpu.memory_space<vmem>>
        %dma_wait3A_377 = tpu.memref_squeeze %dma_wait3A_376 : memref<1x1x128xi32, #tpu.memory_space<vmem>> -> memref<128xi32, #tpu.memory_space<vmem>>
        %dma_wait3A_378 = arith.constant 0 : i32
        %dma_wait3A_379 = arith.constant 0 : i32
        %dma_wait3A_380 = tpu.memref_slice %arg11[%dma_wait3A_378, %dma_wait3A_379] : memref<50008x32xf32, #tpu.memory_space<vmem_shared>> -> memref<50008x32xf32, #tpu.memory_space<vmem_shared>>
        tpu.wait_indirect_dma semaphore(%arg17 : memref<!tpu.dma_semaphore, #tpu.memory_space<semaphore_mem>>) src(%dma_wait3A_374 : memref<128x32xf32, #tpu.memory_space<vmem>>) dst(%dma_wait3A_380 : memref<50008x32xf32, #tpu.memory_space<vmem_shared>>)
        %dma_start3A_381 = arith.constant 0 : i32
        %dma_start3A_382 = arith.constant 0 : i32
        %dma_start3A_383 = arith.constant 0 : i32
        %dma_start3A_384 = arith.constant 0 : i32
        %dma_start3A_385 = tpu.memref_slice %arg10[%dma_start3A_382, %dma_start3A_383, %dma_start3A_384] : memref<4x128x32xf32, #tpu.memory_space<vmem>> -> memref<1x128x32xf32, #tpu.memory_space<vmem>>
        %dma_start3A_386 = tpu.memref_squeeze %dma_start3A_385 : memref<1x128x32xf32, #tpu.memory_space<vmem>> -> memref<128x32xf32, #tpu.memory_space<vmem>>
        %dma_start3A_387 = arith.constant 0 : i32
        %dma_start3A_388 = tpu.memref_slice %arg8[%rem3A_179, %dma_start3A_381, %dma_start3A_387] : memref<3x4x128xi32, #tpu.memory_space<vmem>> -> memref<1x1x128xi32, #tpu.memory_space<vmem>>
        %dma_start3A_389 = tpu.memref_squeeze %dma_start3A_388 : memref<1x1x128xi32, #tpu.memory_space<vmem>> -> memref<128xi32, #tpu.memory_space<vmem>>
        %dma_start3A_390 = arith.constant 0 : i32
        %dma_start3A_391 = arith.constant 0 : i32
        %dma_start3A_392 = tpu.memref_slice %arg2[%dma_start3A_390, %dma_start3A_391] : memref<100000x32xf32, #tpu.memory_space<hbm>> -> memref<100000x32xf32, #tpu.memory_space<hbm>>
        tpu.enqueue_indirect_dma source(%dma_start3A_392 : memref<100000x32xf32, #tpu.memory_space<hbm>>) target(%dma_start3A_386 : memref<128x32xf32, #tpu.memory_space<vmem>>) offsets(%dma_start3A_389 : memref<128xi32, #tpu.memory_space<vmem>>) semaphore(%arg13 : memref<!tpu.dma_semaphore, #tpu.memory_space<semaphore_mem>>)
      } else {
      }
      %dma_wait3A_316 = arith.constant 3 : i32
      %dma_wait3A_317 = arith.constant 3 : i32
      %dma_wait3A_318 = arith.constant 0 : i32
      %dma_wait3A_319 = arith.constant 0 : i32
      %dma_wait3A_320 = tpu.memref_slice %arg10[%dma_wait3A_317, %dma_wait3A_318, %dma_wait3A_319] : memref<4x128x32xf32, #tpu.memory_space<vmem>> -> memref<1x128x32xf32, #tpu.memory_space<vmem>>
      %dma_wait3A_321 = tpu.memref_squeeze %dma_wait3A_320 : memref<1x128x32xf32, #tpu.memory_space<vmem>> -> memref<128x32xf32, #tpu.memory_space<vmem>>
      %dma_wait3A_322 = arith.constant 0 : i32
      %dma_wait3A_323 = tpu.memref_slice %arg8[%rem3A_175, %dma_wait3A_316, %dma_wait3A_322] : memref<3x4x128xi32, #tpu.memory_space<vmem>> -> memref<1x1x128xi32, #tpu.memory_space<vmem>>
      %dma_wait3A_324 = tpu.memref_squeeze %dma_wait3A_323 : memref<1x1x128xi32, #tpu.memory_space<vmem>> -> memref<128xi32, #tpu.memory_space<vmem>>
      %dma_wait3A_325 = arith.constant 0 : i32
      %dma_wait3A_326 = arith.constant 0 : i32
      %dma_wait3A_327 = tpu.memref_slice %arg2[%dma_wait3A_325, %dma_wait3A_326] : memref<100000x32xf32, #tpu.memory_space<hbm>> -> memref<100000x32xf32, #tpu.memory_space<hbm>>
      tpu.wait_indirect_dma semaphore(%arg16 : memref<!tpu.dma_semaphore, #tpu.memory_space<semaphore_mem>>) src(%dma_wait3A_327 : memref<100000x32xf32, #tpu.memory_space<hbm>>) dst(%dma_wait3A_321 : memref<128x32xf32, #tpu.memory_space<vmem>>)
      %dma_start3A_328 = arith.constant 3 : i32
      %dma_start3A_329 = arith.constant 3 : i32
      %dma_start3A_330 = arith.constant 0 : i32
      %dma_start3A_331 = arith.constant 0 : i32
      %dma_start3A_332 = tpu.memref_slice %arg10[%dma_start3A_328, %dma_start3A_330, %dma_start3A_331] : memref<4x128x32xf32, #tpu.memory_space<vmem>> -> memref<1x128x32xf32, #tpu.memory_space<vmem>>
      %dma_start3A_333 = tpu.memref_squeeze %dma_start3A_332 : memref<1x128x32xf32, #tpu.memory_space<vmem>> -> memref<128x32xf32, #tpu.memory_space<vmem>>
      %dma_start3A_334 = arith.constant 0 : i32
      %dma_start3A_335 = tpu.memref_slice %arg9[%rem3A_175, %dma_start3A_329, %dma_start3A_334] : memref<3x4x128xi32, #tpu.memory_space<vmem>> -> memref<1x1x128xi32, #tpu.memory_space<vmem>>
      %dma_start3A_336 = tpu.memref_squeeze %dma_start3A_335 : memref<1x1x128xi32, #tpu.memory_space<vmem>> -> memref<128xi32, #tpu.memory_space<vmem>>
      %dma_start3A_337 = arith.constant 0 : i32
      %dma_start3A_338 = arith.constant 0 : i32
      %dma_start3A_339 = tpu.memref_slice %arg11[%dma_start3A_337, %dma_start3A_338] : memref<50008x32xf32, #tpu.memory_space<vmem_shared>> -> memref<50008x32xf32, #tpu.memory_space<vmem_shared>>
      tpu.enqueue_indirect_dma source(%dma_start3A_333 : memref<128x32xf32, #tpu.memory_space<vmem>>) target(%dma_start3A_339 : memref<50008x32xf32, #tpu.memory_space<vmem_shared>>) offsets(%dma_start3A_336 : memref<128xi32, #tpu.memory_space<vmem>>) semaphore(%arg20 : memref<!tpu.dma_semaphore, #tpu.memory_space<semaphore_mem>>) {add = true}
    }
    %scan3A_92 = arith.constant 98 : i32
    %dma_wait3A_93 = arith.constant 0 : i32
    %dma_wait3A_94 = arith.constant 1 : i32
    %dma_wait3A_95 = arith.constant 0 : i32
    %dma_wait3A_96 = arith.constant 0 : i32
    %dma_wait3A_97 = arith.constant 0 : i32
    %dma_wait3A_98 = tpu.memref_slice %arg10[%dma_wait3A_93, %dma_wait3A_96, %dma_wait3A_97] : memref<4x128x32xf32, #tpu.memory_space<vmem>> -> memref<1x128x32xf32, #tpu.memory_space<vmem>>
    %dma_wait3A_99 = tpu.memref_squeeze %dma_wait3A_98 : memref<1x128x32xf32, #tpu.memory_space<vmem>> -> memref<128x32xf32, #tpu.memory_space<vmem>>
    %dma_wait3A_100 = arith.constant 0 : i32
    %dma_wait3A_101 = tpu.memref_slice %arg9[%dma_wait3A_94, %dma_wait3A_95, %dma_wait3A_100] : memref<3x4x128xi32, #tpu.memory_space<vmem>> -> memref<1x1x128xi32, #tpu.memory_space<vmem>>
    %dma_wait3A_102 = tpu.memref_squeeze %dma_wait3A_101 : memref<1x1x128xi32, #tpu.memory_space<vmem>> -> memref<128xi32, #tpu.memory_space<vmem>>
    %dma_wait3A_103 = arith.constant 0 : i32
    %dma_wait3A_104 = arith.constant 0 : i32
    %dma_wait3A_105 = tpu.memref_slice %arg11[%dma_wait3A_103, %dma_wait3A_104] : memref<50008x32xf32, #tpu.memory_space<vmem_shared>> -> memref<50008x32xf32, #tpu.memory_space<vmem_shared>>
    tpu.wait_indirect_dma semaphore(%arg17 : memref<!tpu.dma_semaphore, #tpu.memory_space<semaphore_mem>>) src(%dma_wait3A_99 : memref<128x32xf32, #tpu.memory_space<vmem>>) dst(%dma_wait3A_105 : memref<50008x32xf32, #tpu.memory_space<vmem_shared>>)
    %dma_wait3A_106 = arith.constant 1 : i32
    %dma_wait3A_107 = arith.constant 1 : i32
    %dma_wait3A_108 = arith.constant 1 : i32
    %dma_wait3A_109 = arith.constant 0 : i32
    %dma_wait3A_110 = arith.constant 0 : i32
    %dma_wait3A_111 = tpu.memref_slice %arg10[%dma_wait3A_106, %dma_wait3A_109, %dma_wait3A_110] : memref<4x128x32xf32, #tpu.memory_space<vmem>> -> memref<1x128x32xf32, #tpu.memory_space<vmem>>
    %dma_wait3A_112 = tpu.memref_squeeze %dma_wait3A_111 : memref<1x128x32xf32, #tpu.memory_space<vmem>> -> memref<128x32xf32, #tpu.memory_space<vmem>>
    %dma_wait3A_113 = arith.constant 0 : i32
    %dma_wait3A_114 = tpu.memref_slice %arg9[%dma_wait3A_107, %dma_wait3A_108, %dma_wait3A_113] : memref<3x4x128xi32, #tpu.memory_space<vmem>> -> memref<1x1x128xi32, #tpu.memory_space<vmem>>
    %dma_wait3A_115 = tpu.memref_squeeze %dma_wait3A_114 : memref<1x1x128xi32, #tpu.memory_space<vmem>> -> memref<128xi32, #tpu.memory_space<vmem>>
    %dma_wait3A_116 = arith.constant 0 : i32
    %dma_wait3A_117 = arith.constant 0 : i32
    %dma_wait3A_118 = tpu.memref_slice %arg11[%dma_wait3A_116, %dma_wait3A_117] : memref<50008x32xf32, #tpu.memory_space<vmem_shared>> -> memref<50008x32xf32, #tpu.memory_space<vmem_shared>>
    tpu.wait_indirect_dma semaphore(%arg18 : memref<!tpu.dma_semaphore, #tpu.memory_space<semaphore_mem>>) src(%dma_wait3A_112 : memref<128x32xf32, #tpu.memory_space<vmem>>) dst(%dma_wait3A_118 : memref<50008x32xf32, #tpu.memory_space<vmem_shared>>)
    %dma_wait3A_119 = arith.constant 2 : i32
    %dma_wait3A_120 = arith.constant 1 : i32
    %dma_wait3A_121 = arith.constant 2 : i32
    %dma_wait3A_122 = arith.constant 0 : i32
    %dma_wait3A_123 = arith.constant 0 : i32
    %dma_wait3A_124 = tpu.memref_slice %arg10[%dma_wait3A_119, %dma_wait3A_122, %dma_wait3A_123] : memref<4x128x32xf32, #tpu.memory_space<vmem>> -> memref<1x128x32xf32, #tpu.memory_space<vmem>>
    %dma_wait3A_125 = tpu.memref_squeeze %dma_wait3A_124 : memref<1x128x32xf32, #tpu.memory_space<vmem>> -> memref<128x32xf32, #tpu.memory_space<vmem>>
    %dma_wait3A_126 = arith.constant 0 : i32
    %dma_wait3A_127 = tpu.memref_slice %arg9[%dma_wait3A_120, %dma_wait3A_121, %dma_wait3A_126] : memref<3x4x128xi32, #tpu.memory_space<vmem>> -> memref<1x1x128xi32, #tpu.memory_space<vmem>>
    %dma_wait3A_128 = tpu.memref_squeeze %dma_wait3A_127 : memref<1x1x128xi32, #tpu.memory_space<vmem>> -> memref<128xi32, #tpu.memory_space<vmem>>
    %dma_wait3A_129 = arith.constant 0 : i32
    %dma_wait3A_130 = arith.constant 0 : i32
    %dma_wait3A_131 = tpu.memref_slice %arg11[%dma_wait3A_129, %dma_wait3A_130] : memref<50008x32xf32, #tpu.memory_space<vmem_shared>> -> memref<50008x32xf32, #tpu.memory_space<vmem_shared>>
    tpu.wait_indirect_dma semaphore(%arg19 : memref<!tpu.dma_semaphore, #tpu.memory_space<semaphore_mem>>) src(%dma_wait3A_125 : memref<128x32xf32, #tpu.memory_space<vmem>>) dst(%dma_wait3A_131 : memref<50008x32xf32, #tpu.memory_space<vmem_shared>>)
    %dma_wait3A_132 = arith.constant 3 : i32
    %dma_wait3A_133 = arith.constant 1 : i32
    %dma_wait3A_134 = arith.constant 3 : i32
    %dma_wait3A_135 = arith.constant 0 : i32
    %dma_wait3A_136 = arith.constant 0 : i32
    %dma_wait3A_137 = tpu.memref_slice %arg10[%dma_wait3A_132, %dma_wait3A_135, %dma_wait3A_136] : memref<4x128x32xf32, #tpu.memory_space<vmem>> -> memref<1x128x32xf32, #tpu.memory_space<vmem>>
    %dma_wait3A_138 = tpu.memref_squeeze %dma_wait3A_137 : memref<1x128x32xf32, #tpu.memory_space<vmem>> -> memref<128x32xf32, #tpu.memory_space<vmem>>
    %dma_wait3A_139 = arith.constant 0 : i32
    %dma_wait3A_140 = tpu.memref_slice %arg9[%dma_wait3A_133, %dma_wait3A_134, %dma_wait3A_139] : memref<3x4x128xi32, #tpu.memory_space<vmem>> -> memref<1x1x128xi32, #tpu.memory_space<vmem>>
    %dma_wait3A_141 = tpu.memref_squeeze %dma_wait3A_140 : memref<1x1x128xi32, #tpu.memory_space<vmem>> -> memref<128xi32, #tpu.memory_space<vmem>>
    %dma_wait3A_142 = arith.constant 0 : i32
    %dma_wait3A_143 = arith.constant 0 : i32
    %dma_wait3A_144 = tpu.memref_slice %arg11[%dma_wait3A_142, %dma_wait3A_143] : memref<50008x32xf32, #tpu.memory_space<vmem_shared>> -> memref<50008x32xf32, #tpu.memory_space<vmem_shared>>
    tpu.wait_indirect_dma semaphore(%arg20 : memref<!tpu.dma_semaphore, #tpu.memory_space<semaphore_mem>>) src(%dma_wait3A_138 : memref<128x32xf32, #tpu.memory_space<vmem>>) dst(%dma_wait3A_144 : memref<50008x32xf32, #tpu.memory_space<vmem_shared>>)
    %barrier3A_145 = arith.constant 0 : index
    tpu.barrier barrier_id(%barrier3A_145)
    %add3A_146 = arith.constant 0 : i32
    %add3A_147 = arith.addi %add3A_146, %arg1 : i32
    %lt3A_148 = arith.constant 50 : i32
    %lt3A_149 = arith.cmpi slt, %add3A_147, %lt3A_148 : i32
    %convert_element_type3A_150 = arith.extui %lt3A_149 : i1 to i32
    %cond3A_151 = arith.constant 0 : i32
    %cond3A_152 = arith.cmpi ne, %convert_element_type3A_150, %cond3A_151 : i32
    scf.if %cond3A_152 {
      %mul3A_174 = arith.constant 1000 : i32
      %mul3A_175 = arith.muli %add3A_147, %mul3A_174 : i32
      %mul3A_176 = arith.constant 50000 : i32
      %mul3A_177 = arith.muli %arg0, %mul3A_176 : i32
      %mul3A_178 = arith.constant 1000 : i32
      %mul3A_179 = arith.muli %add3A_147, %mul3A_178 : i32
      %add3A_180 = arith.addi %mul3A_177, %mul3A_179 : i32
      "tpu.region"() ({
        %run_scoped3A = tpu.sem_alloc : memref<!tpu.dma_semaphore, #tpu.memory_space<semaphore_mem>>
        %dma_start3A_181 = arith.constant 0 : i32
        %dma_start3A_182 = tpu.memref_slice %arg7[%add3A_180, %dma_start3A_181] : memref<100000x32xf32, #tpu.memory_space<hbm>> -> memref<1000x32xf32, #tpu.memory_space<hbm>>
        %dma_start3A_183 = arith.constant 0 : i32
        %dma_start3A_184 = tpu.memref_slice %arg11[%mul3A_175, %dma_start3A_183] : memref<50008x32xf32, #tpu.memory_space<vmem_shared>> -> memref<1000x32xf32, #tpu.memory_space<vmem_shared>>
        tpu.enqueue_dma source(%dma_start3A_184 : memref<1000x32xf32, #tpu.memory_space<vmem_shared>>) target(%dma_start3A_182 : memref<1000x32xf32, #tpu.memory_space<hbm>>) target_semaphore(%run_scoped3A : memref<!tpu.dma_semaphore, #tpu.memory_space<semaphore_mem>>)
        %dma_wait3A_185 = arith.constant 0 : i32
        %dma_wait3A_186 = tpu.memref_slice %arg7[%add3A_180, %dma_wait3A_185] : memref<100000x32xf32, #tpu.memory_space<hbm>> -> memref<1000x32xf32, #tpu.memory_space<hbm>>
        %dma_wait3A_187 = arith.constant 0 : i32
        %dma_wait3A_188 = tpu.memref_slice %arg11[%mul3A_175, %dma_wait3A_187] : memref<50008x32xf32, #tpu.memory_space<vmem_shared>> -> memref<1000x32xf32, #tpu.memory_space<vmem_shared>>
        tpu.wait_dma2 semaphore(%run_scoped3A : memref<!tpu.dma_semaphore, #tpu.memory_space<semaphore_mem>>) src(%dma_wait3A_188 : memref<1000x32xf32, #tpu.memory_space<vmem_shared>>) dst(%dma_wait3A_186 : memref<1000x32xf32, #tpu.memory_space<hbm>>)
        tpu.yield
      }) : () -> ()
    } else {
    }
    %add3A_153 = arith.constant 16 : i32
    %add3A_154 = arith.addi %add3A_153, %arg1 : i32
    %lt3A_155 = arith.constant 50 : i32
    %lt3A_156 = arith.cmpi slt, %add3A_154, %lt3A_155 : i32
    %convert_element_type3A_157 = arith.extui %lt3A_156 : i1 to i32
    %cond3A_158 = arith.constant 0 : i32
    %cond3A_159 = arith.cmpi ne, %convert_element_type3A_157, %cond3A_158 : i32
    scf.if %cond3A_159 {
      %mul3A_174 = arith.constant 1000 : i32
      %mul3A_175 = arith.muli %add3A_154, %mul3A_174 : i32
      %mul3A_176 = arith.constant 50000 : i32
      %mul3A_177 = arith.muli %arg0, %mul3A_176 : i32
      %mul3A_178 = arith.constant 1000 : i32
      %mul3A_179 = arith.muli %add3A_154, %mul3A_178 : i32
      %add3A_180 = arith.addi %mul3A_177, %mul3A_179 : i32
      "tpu.region"() ({
        %run_scoped3A = tpu.sem_alloc : memref<!tpu.dma_semaphore, #tpu.memory_space<semaphore_mem>>
        %dma_start3A_181 = arith.constant 0 : i32
        %dma_start3A_182 = tpu.memref_slice %arg7[%add3A_180, %dma_start3A_181] : memref<100000x32xf32, #tpu.memory_space<hbm>> -> memref<1000x32xf32, #tpu.memory_space<hbm>>
        %dma_start3A_183 = arith.constant 0 : i32
        %dma_start3A_184 = tpu.memref_slice %arg11[%mul3A_175, %dma_start3A_183] : memref<50008x32xf32, #tpu.memory_space<vmem_shared>> -> memref<1000x32xf32, #tpu.memory_space<vmem_shared>>
        tpu.enqueue_dma source(%dma_start3A_184 : memref<1000x32xf32, #tpu.memory_space<vmem_shared>>) target(%dma_start3A_182 : memref<1000x32xf32, #tpu.memory_space<hbm>>) target_semaphore(%run_scoped3A : memref<!tpu.dma_semaphore, #tpu.memory_space<semaphore_mem>>)
        %dma_wait3A_185 = arith.constant 0 : i32
        %dma_wait3A_186 = tpu.memref_slice %arg7[%add3A_180, %dma_wait3A_185] : memref<100000x32xf32, #tpu.memory_space<hbm>> -> memref<1000x32xf32, #tpu.memory_space<hbm>>
        %dma_wait3A_187 = arith.constant 0 : i32
        %dma_wait3A_188 = tpu.memref_slice %arg11[%mul3A_175, %dma_wait3A_187] : memref<50008x32xf32, #tpu.memory_space<vmem_shared>> -> memref<1000x32xf32, #tpu.memory_space<vmem_shared>>
        tpu.wait_dma2 semaphore(%run_scoped3A : memref<!tpu.dma_semaphore, #tpu.memory_space<semaphore_mem>>) src(%dma_wait3A_188 : memref<1000x32xf32, #tpu.memory_space<vmem_shared>>) dst(%dma_wait3A_186 : memref<1000x32xf32, #tpu.memory_space<hbm>>)
        tpu.yield
      }) : () -> ()
    } else {
    }
    %add3A_160 = arith.constant 32 : i32
    %add3A_161 = arith.addi %add3A_160, %arg1 : i32
    %lt3A_162 = arith.constant 50 : i32
    %lt3A_163 = arith.cmpi slt, %add3A_161, %lt3A_162 : i32
    %convert_element_type3A_164 = arith.extui %lt3A_163 : i1 to i32
    %cond3A_165 = arith.constant 0 : i32
    %cond3A_166 = arith.cmpi ne, %convert_element_type3A_164, %cond3A_165 : i32
    scf.if %cond3A_166 {
      %mul3A_174 = arith.constant 1000 : i32
      %mul3A_175 = arith.muli %add3A_161, %mul3A_174 : i32
      %mul3A_176 = arith.constant 50000 : i32
      %mul3A_177 = arith.muli %arg0, %mul3A_176 : i32
      %mul3A_178 = arith.constant 1000 : i32
      %mul3A_179 = arith.muli %add3A_161, %mul3A_178 : i32
      %add3A_180 = arith.addi %mul3A_177, %mul3A_179 : i32
      "tpu.region"() ({
        %run_scoped3A = tpu.sem_alloc : memref<!tpu.dma_semaphore, #tpu.memory_space<semaphore_mem>>
        %dma_start3A_181 = arith.constant 0 : i32
        %dma_start3A_182 = tpu.memref_slice %arg7[%add3A_180, %dma_start3A_181] : memref<100000x32xf32, #tpu.memory_space<hbm>> -> memref<1000x32xf32, #tpu.memory_space<hbm>>
        %dma_start3A_183 = arith.constant 0 : i32
        %dma_start3A_184 = tpu.memref_slice %arg11[%mul3A_175, %dma_start3A_183] : memref<50008x32xf32, #tpu.memory_space<vmem_shared>> -> memref<1000x32xf32, #tpu.memory_space<vmem_shared>>
        tpu.enqueue_dma source(%dma_start3A_184 : memref<1000x32xf32, #tpu.memory_space<vmem_shared>>) target(%dma_start3A_182 : memref<1000x32xf32, #tpu.memory_space<hbm>>) target_semaphore(%run_scoped3A : memref<!tpu.dma_semaphore, #tpu.memory_space<semaphore_mem>>)
        %dma_wait3A_185 = arith.constant 0 : i32
        %dma_wait3A_186 = tpu.memref_slice %arg7[%add3A_180, %dma_wait3A_185] : memref<100000x32xf32, #tpu.memory_space<hbm>> -> memref<1000x32xf32, #tpu.memory_space<hbm>>
        %dma_wait3A_187 = arith.constant 0 : i32
        %dma_wait3A_188 = tpu.memref_slice %arg11[%mul3A_175, %dma_wait3A_187] : memref<50008x32xf32, #tpu.memory_space<vmem_shared>> -> memref<1000x32xf32, #tpu.memory_space<vmem_shared>>
        tpu.wait_dma2 semaphore(%run_scoped3A : memref<!tpu.dma_semaphore, #tpu.memory_space<semaphore_mem>>) src(%dma_wait3A_188 : memref<1000x32xf32, #tpu.memory_space<vmem_shared>>) dst(%dma_wait3A_186 : memref<1000x32xf32, #tpu.memory_space<hbm>>)
        tpu.yield
      }) : () -> ()
    } else {
    }
    %add3A_167 = arith.constant 48 : i32
    %add3A_168 = arith.addi %add3A_167, %arg1 : i32
    %lt3A_169 = arith.constant 50 : i32
    %lt3A_170 = arith.cmpi slt, %add3A_168, %lt3A_169 : i32
    %convert_element_type3A_171 = arith.extui %lt3A_170 : i1 to i32
    %cond3A_172 = arith.constant 0 : i32
    %cond3A_173 = arith.cmpi ne, %convert_element_type3A_171, %cond3A_172 : i32
    scf.if %cond3A_173 {
      %mul3A_174 = arith.constant 1000 : i32
      %mul3A_175 = arith.muli %add3A_168, %mul3A_174 : i32
      %mul3A_176 = arith.constant 50000 : i32
      %mul3A_177 = arith.muli %arg0, %mul3A_176 : i32
      %mul3A_178 = arith.constant 1000 : i32
      %mul3A_179 = arith.muli %add3A_168, %mul3A_178 : i32
      %add3A_180 = arith.addi %mul3A_177, %mul3A_179 : i32
      "tpu.region"() ({
        %run_scoped3A = tpu.sem_alloc : memref<!tpu.dma_semaphore, #tpu.memory_space<semaphore_mem>>
        %dma_start3A_181 = arith.constant 0 : i32
        %dma_start3A_182 = tpu.memref_slice %arg7[%add3A_180, %dma_start3A_181] : memref<100000x32xf32, #tpu.memory_space<hbm>> -> memref<1000x32xf32, #tpu.memory_space<hbm>>
        %dma_start3A_183 = arith.constant 0 : i32
        %dma_start3A_184 = tpu.memref_slice %arg11[%mul3A_175, %dma_start3A_183] : memref<50008x32xf32, #tpu.memory_space<vmem_shared>> -> memref<1000x32xf32, #tpu.memory_space<vmem_shared>>
        tpu.enqueue_dma source(%dma_start3A_184 : memref<1000x32xf32, #tpu.memory_space<vmem_shared>>) target(%dma_start3A_182 : memref<1000x32xf32, #tpu.memory_space<hbm>>) target_semaphore(%run_scoped3A : memref<!tpu.dma_semaphore, #tpu.memory_space<semaphore_mem>>)
        %dma_wait3A_185 = arith.constant 0 : i32
        %dma_wait3A_186 = tpu.memref_slice %arg7[%add3A_180, %dma_wait3A_185] : memref<100000x32xf32, #tpu.memory_space<hbm>> -> memref<1000x32xf32, #tpu.memory_space<hbm>>
        %dma_wait3A_187 = arith.constant 0 : i32
        %dma_wait3A_188 = tpu.memref_slice %arg11[%mul3A_175, %dma_wait3A_187] : memref<50008x32xf32, #tpu.memory_space<vmem_shared>> -> memref<1000x32xf32, #tpu.memory_space<vmem_shared>>
        tpu.wait_dma2 semaphore(%run_scoped3A : memref<!tpu.dma_semaphore, #tpu.memory_space<semaphore_mem>>) src(%dma_wait3A_188 : memref<1000x32xf32, #tpu.memory_space<vmem_shared>>) dst(%dma_wait3A_186 : memref<1000x32xf32, #tpu.memory_space<hbm>>)
        tpu.yield
      }) : () -> ()
    } else {
    }
    return
  }
}

module attributes {stable_mosaic.version = 14 : i64} {
  func.func @_lstm_body(%arg0: i32, %arg1: i32, %arg2: memref<1x1000x256xf32, #tpu.memory_space<vmem>>, %arg3: memref<16x256x512xf32, #tpu.memory_space<vmem>>, %arg4: memref<128x512xf32, #tpu.memory_space<vmem>>, %arg5: memref<1x512xf32, #tpu.memory_space<vmem>>, %arg6: memref<128x128xf32, #tpu.memory_space<vmem>>, %arg7: memref<1x128xf32, #tpu.memory_space<vmem>>, %arg8: memref<1x128xf32, #tpu.memory_space<vmem>>, %arg9: memref<128x64xf32, #tpu.memory_space<vmem>>, %arg10: memref<128x64xf32, #tpu.memory_space<vmem>>, %arg11: memref<1x64xf32, #tpu.memory_space<vmem>>, %arg12: memref<1x1000x64xf32, #tpu.memory_space<vmem>>, %arg13: memref<1x1000x64xf32, #tpu.memory_space<vmem>>) attributes {dimension_semantics = [#tpu.dimension_semantics<arbitrary>, #tpu.dimension_semantics<arbitrary>], iteration_bounds = array<i64: 2, 25>, scalar_prefetch = 0 : i64, scratch_operands = 0 : i64, tpu.core_type = #tpu.core_type<tc>, window_params = [{transform_indices = @transform_0, window_bounds = array<i64: 1, 1000, 256>}, {pipeline_mode = #tpu.pipeline_mode<synchronous>, transform_indices = @transform_1, window_bounds = array<i64: 16, 256, 512>}, {pipeline_mode = #tpu.pipeline_mode<synchronous>, transform_indices = @transform_2, window_bounds = array<i64: 128, 512>}, {pipeline_mode = #tpu.pipeline_mode<synchronous>, transform_indices = @transform_3, window_bounds = array<i64: 1, 512>}, {pipeline_mode = #tpu.pipeline_mode<synchronous>, transform_indices = @transform_4, window_bounds = array<i64: 128, 128>}, {pipeline_mode = #tpu.pipeline_mode<synchronous>, transform_indices = @transform_5, window_bounds = array<i64: 1, 128>}, {pipeline_mode = #tpu.pipeline_mode<synchronous>, transform_indices = @transform_6, window_bounds = array<i64: 1, 128>}, {pipeline_mode = #tpu.pipeline_mode<synchronous>, transform_indices = @transform_7, window_bounds = array<i64: 128, 64>}, {pipeline_mode = #tpu.pipeline_mode<synchronous>, transform_indices = @transform_8, window_bounds = array<i64: 128, 64>}, {pipeline_mode = #tpu.pipeline_mode<synchronous>, transform_indices = @transform_9, window_bounds = array<i64: 1, 64>}, {transform_indices = @transform_10, window_bounds = array<i64: 1, 1000, 64>}, {transform_indices = @transform_11, window_bounds = array<i64: 1, 1000, 64>}]} {
    %get3A = arith.constant 0 : index
    %get3A_0 = arith.constant 0 : index
    %get3A_1 = arith.constant 0 : index
    %get3A_2 = vector.load %arg2[%get3A, %get3A_0, %get3A_1] : memref<1x1000x256xf32, #tpu.memory_space<vmem>>, vector<1x1000x256xf32>
    %get3A_3 = vector.shape_cast %get3A_2 : vector<1x1000x256xf32> to vector<1000x256xf32>
    %broadcast_in_dim3A = arith.constant 0.000000e+00 : f32
    %broadcast_in_dim3A_4 = vector.broadcast %broadcast_in_dim3A : f32 to vector<1000x128xf32>
    %broadcast_in_dim3A_5 = arith.constant 0.000000e+00 : f32
    %broadcast_in_dim3A_6 = vector.broadcast %broadcast_in_dim3A_5 : f32 to vector<1000x128xf32>
    %get3A_7 = arith.constant 0 : index
    %get3A_8 = arith.constant 0 : index
    %get3A_9 = vector.load %arg4[%get3A_7, %get3A_8] : memref<128x512xf32, #tpu.memory_space<vmem>>, vector<128x512xf32>
    %get3A_10 = arith.constant 0 : index
    %get3A_11 = arith.constant 0 : index
    %get3A_12 = vector.load %arg5[%get3A_10, %get3A_11] : memref<1x512xf32, #tpu.memory_space<vmem>>, vector<1x512xf32>
    %get3A_13 = arith.constant 0 : index
    %get3A_14 = arith.constant 0 : index
    %get3A_15 = arith.constant 0 : index
    %get3A_16 = vector.load %arg3[%get3A_13, %get3A_14, %get3A_15] : memref<16x256x512xf32, #tpu.memory_space<vmem>>, vector<1x256x512xf32>
    %get3A_17 = vector.shape_cast %get3A_16 : vector<1x256x512xf32> to vector<256x512xf32>
    %dot_general3A = arith.constant dense<0.000000e+00> : vector<1000x512xf32>
    %dot_general3A_18 = tpu.matmul %get3A_3, %get3A_17, %dot_general3A {dimension_numbers = #tpu.dot_dimension_numbers<[1], [0], [0], [1], [0, 0, 1, 1], [], []>, transpose_lhs_hint = false} : vector<1000x256xf32>, vector<256x512xf32>, vector<1000x512xf32> -> vector<1000x512xf32>
    %dot_general3A_19 = arith.constant dense<0.000000e+00> : vector<1000x512xf32>
    %dot_general3A_20 = tpu.matmul %broadcast_in_dim3A_4, %get3A_9, %dot_general3A_19 {dimension_numbers = #tpu.dot_dimension_numbers<[1], [0], [0], [1], [0, 0, 1, 1], [], []>, transpose_lhs_hint = false} : vector<1000x128xf32>, vector<128x512xf32>, vector<1000x512xf32> -> vector<1000x512xf32>
    %add3A = arith.addf %dot_general3A_18, %dot_general3A_20 : vector<1000x512xf32>
    %add3A_21 = vector.broadcast %get3A_12 : vector<1x512xf32> to vector<1000x512xf32>
    %add3A_22 = arith.addf %add3A, %add3A_21 : vector<1000x512xf32>
    %slice3A = vector.extract_strided_slice %add3A_22 {offsets = [0, 0], sizes = [1000, 128], strides = [1, 1]} : vector<1000x512xf32> to vector<1000x128xf32>
    %mul3A = arith.constant 5.000000e-01 : f32
    %mul3A_23 = vector.broadcast %mul3A : f32 to vector<1000x128xf32>
    %mul3A_24 = arith.mulf %mul3A_23, %slice3A : vector<1000x128xf32>
    %tanh3A = math.tanh %mul3A_24 : vector<1000x128xf32>
    %mul3A_25 = arith.constant 5.000000e-01 : f32
    %mul3A_26 = vector.broadcast %mul3A_25 : f32 to vector<1000x128xf32>
    %mul3A_27 = arith.mulf %mul3A_26, %tanh3A : vector<1000x128xf32>
    %add3A_28 = arith.constant 5.000000e-01 : f32
    %add3A_29 = vector.broadcast %add3A_28 : f32 to vector<1000x128xf32>
    %add3A_30 = arith.addf %mul3A_27, %add3A_29 : vector<1000x128xf32>
    %slice3A_31 = vector.extract_strided_slice %add3A_22 {offsets = [0, 128], sizes = [1000, 128], strides = [1, 1]} : vector<1000x512xf32> to vector<1000x128xf32>
    %mul3A_32 = arith.constant 5.000000e-01 : f32
    %mul3A_33 = vector.broadcast %mul3A_32 : f32 to vector<1000x128xf32>
    %mul3A_34 = arith.mulf %mul3A_33, %slice3A_31 : vector<1000x128xf32>
    %tanh3A_35 = math.tanh %mul3A_34 : vector<1000x128xf32>
    %mul3A_36 = arith.constant 5.000000e-01 : f32
    %mul3A_37 = vector.broadcast %mul3A_36 : f32 to vector<1000x128xf32>
    %mul3A_38 = arith.mulf %mul3A_37, %tanh3A_35 : vector<1000x128xf32>
    %add3A_39 = arith.constant 5.000000e-01 : f32
    %add3A_40 = vector.broadcast %add3A_39 : f32 to vector<1000x128xf32>
    %add3A_41 = arith.addf %mul3A_38, %add3A_40 : vector<1000x128xf32>
    %slice3A_42 = vector.extract_strided_slice %add3A_22 {offsets = [0, 256], sizes = [1000, 128], strides = [1, 1]} : vector<1000x512xf32> to vector<1000x128xf32>
    %tanh3A_43 = math.tanh %slice3A_42 : vector<1000x128xf32>
    %slice3A_44 = vector.extract_strided_slice %add3A_22 {offsets = [0, 384], sizes = [1000, 128], strides = [1, 1]} : vector<1000x512xf32> to vector<1000x128xf32>
    %mul3A_45 = arith.constant 5.000000e-01 : f32
    %mul3A_46 = vector.broadcast %mul3A_45 : f32 to vector<1000x128xf32>
    %mul3A_47 = arith.mulf %mul3A_46, %slice3A_44 : vector<1000x128xf32>
    %tanh3A_48 = math.tanh %mul3A_47 : vector<1000x128xf32>
    %mul3A_49 = arith.constant 5.000000e-01 : f32
    %mul3A_50 = vector.broadcast %mul3A_49 : f32 to vector<1000x128xf32>
    %mul3A_51 = arith.mulf %mul3A_50, %tanh3A_48 : vector<1000x128xf32>
    %add3A_52 = arith.constant 5.000000e-01 : f32
    %add3A_53 = vector.broadcast %add3A_52 : f32 to vector<1000x128xf32>
    %add3A_54 = arith.addf %mul3A_51, %add3A_53 : vector<1000x128xf32>
    %mul3A_55 = arith.mulf %add3A_41, %broadcast_in_dim3A_6 : vector<1000x128xf32>
    %mul3A_56 = arith.mulf %add3A_30, %tanh3A_43 : vector<1000x128xf32>
    %add3A_57 = arith.addf %mul3A_55, %mul3A_56 : vector<1000x128xf32>
    %tanh3A_58 = math.tanh %add3A_57 : vector<1000x128xf32>
    %mul3A_59 = arith.mulf %add3A_54, %tanh3A_58 : vector<1000x128xf32>
    %get3A_60 = arith.constant 1 : index
    %get3A_61 = arith.constant 0 : index
    %get3A_62 = arith.constant 0 : index
    %get3A_63 = vector.load %arg3[%get3A_60, %get3A_61, %get3A_62] : memref<16x256x512xf32, #tpu.memory_space<vmem>>, vector<1x256x512xf32>
    %get3A_64 = vector.shape_cast %get3A_63 : vector<1x256x512xf32> to vector<256x512xf32>
    %dot_general3A_65 = arith.constant dense<0.000000e+00> : vector<1000x512xf32>
    %dot_general3A_66 = tpu.matmul %get3A_3, %get3A_64, %dot_general3A_65 {dimension_numbers = #tpu.dot_dimension_numbers<[1], [0], [0], [1], [0, 0, 1, 1], [], []>, transpose_lhs_hint = false} : vector<1000x256xf32>, vector<256x512xf32>, vector<1000x512xf32> -> vector<1000x512xf32>
    %dot_general3A_67 = arith.constant dense<0.000000e+00> : vector<1000x512xf32>
    %dot_general3A_68 = tpu.matmul %mul3A_59, %get3A_9, %dot_general3A_67 {dimension_numbers = #tpu.dot_dimension_numbers<[1], [0], [0], [1], [0, 0, 1, 1], [], []>, transpose_lhs_hint = false} : vector<1000x128xf32>, vector<128x512xf32>, vector<1000x512xf32> -> vector<1000x512xf32>
    %add3A_69 = arith.addf %dot_general3A_66, %dot_general3A_68 : vector<1000x512xf32>
    %add3A_70 = vector.broadcast %get3A_12 : vector<1x512xf32> to vector<1000x512xf32>
    %add3A_71 = arith.addf %add3A_69, %add3A_70 : vector<1000x512xf32>
    %slice3A_72 = vector.extract_strided_slice %add3A_71 {offsets = [0, 0], sizes = [1000, 128], strides = [1, 1]} : vector<1000x512xf32> to vector<1000x128xf32>
    %mul3A_73 = arith.constant 5.000000e-01 : f32
    %mul3A_74 = vector.broadcast %mul3A_73 : f32 to vector<1000x128xf32>
    %mul3A_75 = arith.mulf %mul3A_74, %slice3A_72 : vector<1000x128xf32>
    %tanh3A_76 = math.tanh %mul3A_75 : vector<1000x128xf32>
    %mul3A_77 = arith.constant 5.000000e-01 : f32
    %mul3A_78 = vector.broadcast %mul3A_77 : f32 to vector<1000x128xf32>
    %mul3A_79 = arith.mulf %mul3A_78, %tanh3A_76 : vector<1000x128xf32>
    %add3A_80 = arith.constant 5.000000e-01 : f32
    %add3A_81 = vector.broadcast %add3A_80 : f32 to vector<1000x128xf32>
    %add3A_82 = arith.addf %mul3A_79, %add3A_81 : vector<1000x128xf32>
    %slice3A_83 = vector.extract_strided_slice %add3A_71 {offsets = [0, 128], sizes = [1000, 128], strides = [1, 1]} : vector<1000x512xf32> to vector<1000x128xf32>
    %mul3A_84 = arith.constant 5.000000e-01 : f32
    %mul3A_85 = vector.broadcast %mul3A_84 : f32 to vector<1000x128xf32>
    %mul3A_86 = arith.mulf %mul3A_85, %slice3A_83 : vector<1000x128xf32>
    %tanh3A_87 = math.tanh %mul3A_86 : vector<1000x128xf32>
    %mul3A_88 = arith.constant 5.000000e-01 : f32
    %mul3A_89 = vector.broadcast %mul3A_88 : f32 to vector<1000x128xf32>
    %mul3A_90 = arith.mulf %mul3A_89, %tanh3A_87 : vector<1000x128xf32>
    %add3A_91 = arith.constant 5.000000e-01 : f32
    %add3A_92 = vector.broadcast %add3A_91 : f32 to vector<1000x128xf32>
    %add3A_93 = arith.addf %mul3A_90, %add3A_92 : vector<1000x128xf32>
    %slice3A_94 = vector.extract_strided_slice %add3A_71 {offsets = [0, 256], sizes = [1000, 128], strides = [1, 1]} : vector<1000x512xf32> to vector<1000x128xf32>
    %tanh3A_95 = math.tanh %slice3A_94 : vector<1000x128xf32>
    %slice3A_96 = vector.extract_strided_slice %add3A_71 {offsets = [0, 384], sizes = [1000, 128], strides = [1, 1]} : vector<1000x512xf32> to vector<1000x128xf32>
    %mul3A_97 = arith.constant 5.000000e-01 : f32
    %mul3A_98 = vector.broadcast %mul3A_97 : f32 to vector<1000x128xf32>
    %mul3A_99 = arith.mulf %mul3A_98, %slice3A_96 : vector<1000x128xf32>
    %tanh3A_100 = math.tanh %mul3A_99 : vector<1000x128xf32>
    %mul3A_101 = arith.constant 5.000000e-01 : f32
    %mul3A_102 = vector.broadcast %mul3A_101 : f32 to vector<1000x128xf32>
    %mul3A_103 = arith.mulf %mul3A_102, %tanh3A_100 : vector<1000x128xf32>
    %add3A_104 = arith.constant 5.000000e-01 : f32
    %add3A_105 = vector.broadcast %add3A_104 : f32 to vector<1000x128xf32>
    %add3A_106 = arith.addf %mul3A_103, %add3A_105 : vector<1000x128xf32>
    %mul3A_107 = arith.mulf %add3A_93, %add3A_57 : vector<1000x128xf32>
    %mul3A_108 = arith.mulf %add3A_82, %tanh3A_95 : vector<1000x128xf32>
    %add3A_109 = arith.addf %mul3A_107, %mul3A_108 : vector<1000x128xf32>
    %tanh3A_110 = math.tanh %add3A_109 : vector<1000x128xf32>
    %mul3A_111 = arith.mulf %add3A_106, %tanh3A_110 : vector<1000x128xf32>
    %get3A_112 = arith.constant 2 : index
    %get3A_113 = arith.constant 0 : index
    %get3A_114 = arith.constant 0 : index
    %get3A_115 = vector.load %arg3[%get3A_112, %get3A_113, %get3A_114] : memref<16x256x512xf32, #tpu.memory_space<vmem>>, vector<1x256x512xf32>
    %get3A_116 = vector.shape_cast %get3A_115 : vector<1x256x512xf32> to vector<256x512xf32>
    %dot_general3A_117 = arith.constant dense<0.000000e+00> : vector<1000x512xf32>
    %dot_general3A_118 = tpu.matmul %get3A_3, %get3A_116, %dot_general3A_117 {dimension_numbers = #tpu.dot_dimension_numbers<[1], [0], [0], [1], [0, 0, 1, 1], [], []>, transpose_lhs_hint = false} : vector<1000x256xf32>, vector<256x512xf32>, vector<1000x512xf32> -> vector<1000x512xf32>
    %dot_general3A_119 = arith.constant dense<0.000000e+00> : vector<1000x512xf32>
    %dot_general3A_120 = tpu.matmul %mul3A_111, %get3A_9, %dot_general3A_119 {dimension_numbers = #tpu.dot_dimension_numbers<[1], [0], [0], [1], [0, 0, 1, 1], [], []>, transpose_lhs_hint = false} : vector<1000x128xf32>, vector<128x512xf32>, vector<1000x512xf32> -> vector<1000x512xf32>
    %add3A_121 = arith.addf %dot_general3A_118, %dot_general3A_120 : vector<1000x512xf32>
    %add3A_122 = vector.broadcast %get3A_12 : vector<1x512xf32> to vector<1000x512xf32>
    %add3A_123 = arith.addf %add3A_121, %add3A_122 : vector<1000x512xf32>
    %slice3A_124 = vector.extract_strided_slice %add3A_123 {offsets = [0, 0], sizes = [1000, 128], strides = [1, 1]} : vector<1000x512xf32> to vector<1000x128xf32>
    %mul3A_125 = arith.constant 5.000000e-01 : f32
    %mul3A_126 = vector.broadcast %mul3A_125 : f32 to vector<1000x128xf32>
    %mul3A_127 = arith.mulf %mul3A_126, %slice3A_124 : vector<1000x128xf32>
    %tanh3A_128 = math.tanh %mul3A_127 : vector<1000x128xf32>
    %mul3A_129 = arith.constant 5.000000e-01 : f32
    %mul3A_130 = vector.broadcast %mul3A_129 : f32 to vector<1000x128xf32>
    %mul3A_131 = arith.mulf %mul3A_130, %tanh3A_128 : vector<1000x128xf32>
    %add3A_132 = arith.constant 5.000000e-01 : f32
    %add3A_133 = vector.broadcast %add3A_132 : f32 to vector<1000x128xf32>
    %add3A_134 = arith.addf %mul3A_131, %add3A_133 : vector<1000x128xf32>
    %slice3A_135 = vector.extract_strided_slice %add3A_123 {offsets = [0, 128], sizes = [1000, 128], strides = [1, 1]} : vector<1000x512xf32> to vector<1000x128xf32>
    %mul3A_136 = arith.constant 5.000000e-01 : f32
    %mul3A_137 = vector.broadcast %mul3A_136 : f32 to vector<1000x128xf32>
    %mul3A_138 = arith.mulf %mul3A_137, %slice3A_135 : vector<1000x128xf32>
    %tanh3A_139 = math.tanh %mul3A_138 : vector<1000x128xf32>
    %mul3A_140 = arith.constant 5.000000e-01 : f32
    %mul3A_141 = vector.broadcast %mul3A_140 : f32 to vector<1000x128xf32>
    %mul3A_142 = arith.mulf %mul3A_141, %tanh3A_139 : vector<1000x128xf32>
    %add3A_143 = arith.constant 5.000000e-01 : f32
    %add3A_144 = vector.broadcast %add3A_143 : f32 to vector<1000x128xf32>
    %add3A_145 = arith.addf %mul3A_142, %add3A_144 : vector<1000x128xf32>
    %slice3A_146 = vector.extract_strided_slice %add3A_123 {offsets = [0, 256], sizes = [1000, 128], strides = [1, 1]} : vector<1000x512xf32> to vector<1000x128xf32>
    %tanh3A_147 = math.tanh %slice3A_146 : vector<1000x128xf32>
    %slice3A_148 = vector.extract_strided_slice %add3A_123 {offsets = [0, 384], sizes = [1000, 128], strides = [1, 1]} : vector<1000x512xf32> to vector<1000x128xf32>
    %mul3A_149 = arith.constant 5.000000e-01 : f32
    %mul3A_150 = vector.broadcast %mul3A_149 : f32 to vector<1000x128xf32>
    %mul3A_151 = arith.mulf %mul3A_150, %slice3A_148 : vector<1000x128xf32>
    %tanh3A_152 = math.tanh %mul3A_151 : vector<1000x128xf32>
    %mul3A_153 = arith.constant 5.000000e-01 : f32
    %mul3A_154 = vector.broadcast %mul3A_153 : f32 to vector<1000x128xf32>
    %mul3A_155 = arith.mulf %mul3A_154, %tanh3A_152 : vector<1000x128xf32>
    %add3A_156 = arith.constant 5.000000e-01 : f32
    %add3A_157 = vector.broadcast %add3A_156 : f32 to vector<1000x128xf32>
    %add3A_158 = arith.addf %mul3A_155, %add3A_157 : vector<1000x128xf32>
    %mul3A_159 = arith.mulf %add3A_145, %add3A_109 : vector<1000x128xf32>
    %mul3A_160 = arith.mulf %add3A_134, %tanh3A_147 : vector<1000x128xf32>
    %add3A_161 = arith.addf %mul3A_159, %mul3A_160 : vector<1000x128xf32>
    %tanh3A_162 = math.tanh %add3A_161 : vector<1000x128xf32>
    %mul3A_163 = arith.mulf %add3A_158, %tanh3A_162 : vector<1000x128xf32>
    %get3A_164 = arith.constant 3 : index
    %get3A_165 = arith.constant 0 : index
    %get3A_166 = arith.constant 0 : index
    %get3A_167 = vector.load %arg3[%get3A_164, %get3A_165, %get3A_166] : memref<16x256x512xf32, #tpu.memory_space<vmem>>, vector<1x256x512xf32>
    %get3A_168 = vector.shape_cast %get3A_167 : vector<1x256x512xf32> to vector<256x512xf32>
    %dot_general3A_169 = arith.constant dense<0.000000e+00> : vector<1000x512xf32>
    %dot_general3A_170 = tpu.matmul %get3A_3, %get3A_168, %dot_general3A_169 {dimension_numbers = #tpu.dot_dimension_numbers<[1], [0], [0], [1], [0, 0, 1, 1], [], []>, transpose_lhs_hint = false} : vector<1000x256xf32>, vector<256x512xf32>, vector<1000x512xf32> -> vector<1000x512xf32>
    %dot_general3A_171 = arith.constant dense<0.000000e+00> : vector<1000x512xf32>
    %dot_general3A_172 = tpu.matmul %mul3A_163, %get3A_9, %dot_general3A_171 {dimension_numbers = #tpu.dot_dimension_numbers<[1], [0], [0], [1], [0, 0, 1, 1], [], []>, transpose_lhs_hint = false} : vector<1000x128xf32>, vector<128x512xf32>, vector<1000x512xf32> -> vector<1000x512xf32>
    %add3A_173 = arith.addf %dot_general3A_170, %dot_general3A_172 : vector<1000x512xf32>
    %add3A_174 = vector.broadcast %get3A_12 : vector<1x512xf32> to vector<1000x512xf32>
    %add3A_175 = arith.addf %add3A_173, %add3A_174 : vector<1000x512xf32>
    %slice3A_176 = vector.extract_strided_slice %add3A_175 {offsets = [0, 0], sizes = [1000, 128], strides = [1, 1]} : vector<1000x512xf32> to vector<1000x128xf32>
    %mul3A_177 = arith.constant 5.000000e-01 : f32
    %mul3A_178 = vector.broadcast %mul3A_177 : f32 to vector<1000x128xf32>
    %mul3A_179 = arith.mulf %mul3A_178, %slice3A_176 : vector<1000x128xf32>
    %tanh3A_180 = math.tanh %mul3A_179 : vector<1000x128xf32>
    %mul3A_181 = arith.constant 5.000000e-01 : f32
    %mul3A_182 = vector.broadcast %mul3A_181 : f32 to vector<1000x128xf32>
    %mul3A_183 = arith.mulf %mul3A_182, %tanh3A_180 : vector<1000x128xf32>
    %add3A_184 = arith.constant 5.000000e-01 : f32
    %add3A_185 = vector.broadcast %add3A_184 : f32 to vector<1000x128xf32>
    %add3A_186 = arith.addf %mul3A_183, %add3A_185 : vector<1000x128xf32>
    %slice3A_187 = vector.extract_strided_slice %add3A_175 {offsets = [0, 128], sizes = [1000, 128], strides = [1, 1]} : vector<1000x512xf32> to vector<1000x128xf32>
    %mul3A_188 = arith.constant 5.000000e-01 : f32
    %mul3A_189 = vector.broadcast %mul3A_188 : f32 to vector<1000x128xf32>
    %mul3A_190 = arith.mulf %mul3A_189, %slice3A_187 : vector<1000x128xf32>
    %tanh3A_191 = math.tanh %mul3A_190 : vector<1000x128xf32>
    %mul3A_192 = arith.constant 5.000000e-01 : f32
    %mul3A_193 = vector.broadcast %mul3A_192 : f32 to vector<1000x128xf32>
    %mul3A_194 = arith.mulf %mul3A_193, %tanh3A_191 : vector<1000x128xf32>
    %add3A_195 = arith.constant 5.000000e-01 : f32
    %add3A_196 = vector.broadcast %add3A_195 : f32 to vector<1000x128xf32>
    %add3A_197 = arith.addf %mul3A_194, %add3A_196 : vector<1000x128xf32>
    %slice3A_198 = vector.extract_strided_slice %add3A_175 {offsets = [0, 256], sizes = [1000, 128], strides = [1, 1]} : vector<1000x512xf32> to vector<1000x128xf32>
    %tanh3A_199 = math.tanh %slice3A_198 : vector<1000x128xf32>
    %slice3A_200 = vector.extract_strided_slice %add3A_175 {offsets = [0, 384], sizes = [1000, 128], strides = [1, 1]} : vector<1000x512xf32> to vector<1000x128xf32>
    %mul3A_201 = arith.constant 5.000000e-01 : f32
    %mul3A_202 = vector.broadcast %mul3A_201 : f32 to vector<1000x128xf32>
    %mul3A_203 = arith.mulf %mul3A_202, %slice3A_200 : vector<1000x128xf32>
    %tanh3A_204 = math.tanh %mul3A_203 : vector<1000x128xf32>
    %mul3A_205 = arith.constant 5.000000e-01 : f32
    %mul3A_206 = vector.broadcast %mul3A_205 : f32 to vector<1000x128xf32>
    %mul3A_207 = arith.mulf %mul3A_206, %tanh3A_204 : vector<1000x128xf32>
    %add3A_208 = arith.constant 5.000000e-01 : f32
    %add3A_209 = vector.broadcast %add3A_208 : f32 to vector<1000x128xf32>
    %add3A_210 = arith.addf %mul3A_207, %add3A_209 : vector<1000x128xf32>
    %mul3A_211 = arith.mulf %add3A_197, %add3A_161 : vector<1000x128xf32>
    %mul3A_212 = arith.mulf %add3A_186, %tanh3A_199 : vector<1000x128xf32>
    %add3A_213 = arith.addf %mul3A_211, %mul3A_212 : vector<1000x128xf32>
    %tanh3A_214 = math.tanh %add3A_213 : vector<1000x128xf32>
    %mul3A_215 = arith.mulf %add3A_210, %tanh3A_214 : vector<1000x128xf32>
    %get3A_216 = arith.constant 4 : index
    %get3A_217 = arith.constant 0 : index
    %get3A_218 = arith.constant 0 : index
    %get3A_219 = vector.load %arg3[%get3A_216, %get3A_217, %get3A_218] : memref<16x256x512xf32, #tpu.memory_space<vmem>>, vector<1x256x512xf32>
    %get3A_220 = vector.shape_cast %get3A_219 : vector<1x256x512xf32> to vector<256x512xf32>
    %dot_general3A_221 = arith.constant dense<0.000000e+00> : vector<1000x512xf32>
    %dot_general3A_222 = tpu.matmul %get3A_3, %get3A_220, %dot_general3A_221 {dimension_numbers = #tpu.dot_dimension_numbers<[1], [0], [0], [1], [0, 0, 1, 1], [], []>, transpose_lhs_hint = false} : vector<1000x256xf32>, vector<256x512xf32>, vector<1000x512xf32> -> vector<1000x512xf32>
    %dot_general3A_223 = arith.constant dense<0.000000e+00> : vector<1000x512xf32>
    %dot_general3A_224 = tpu.matmul %mul3A_215, %get3A_9, %dot_general3A_223 {dimension_numbers = #tpu.dot_dimension_numbers<[1], [0], [0], [1], [0, 0, 1, 1], [], []>, transpose_lhs_hint = false} : vector<1000x128xf32>, vector<128x512xf32>, vector<1000x512xf32> -> vector<1000x512xf32>
    %add3A_225 = arith.addf %dot_general3A_222, %dot_general3A_224 : vector<1000x512xf32>
    %add3A_226 = vector.broadcast %get3A_12 : vector<1x512xf32> to vector<1000x512xf32>
    %add3A_227 = arith.addf %add3A_225, %add3A_226 : vector<1000x512xf32>
    %slice3A_228 = vector.extract_strided_slice %add3A_227 {offsets = [0, 0], sizes = [1000, 128], strides = [1, 1]} : vector<1000x512xf32> to vector<1000x128xf32>
    %mul3A_229 = arith.constant 5.000000e-01 : f32
    %mul3A_230 = vector.broadcast %mul3A_229 : f32 to vector<1000x128xf32>
    %mul3A_231 = arith.mulf %mul3A_230, %slice3A_228 : vector<1000x128xf32>
    %tanh3A_232 = math.tanh %mul3A_231 : vector<1000x128xf32>
    %mul3A_233 = arith.constant 5.000000e-01 : f32
    %mul3A_234 = vector.broadcast %mul3A_233 : f32 to vector<1000x128xf32>
    %mul3A_235 = arith.mulf %mul3A_234, %tanh3A_232 : vector<1000x128xf32>
    %add3A_236 = arith.constant 5.000000e-01 : f32
    %add3A_237 = vector.broadcast %add3A_236 : f32 to vector<1000x128xf32>
    %add3A_238 = arith.addf %mul3A_235, %add3A_237 : vector<1000x128xf32>
    %slice3A_239 = vector.extract_strided_slice %add3A_227 {offsets = [0, 128], sizes = [1000, 128], strides = [1, 1]} : vector<1000x512xf32> to vector<1000x128xf32>
    %mul3A_240 = arith.constant 5.000000e-01 : f32
    %mul3A_241 = vector.broadcast %mul3A_240 : f32 to vector<1000x128xf32>
    %mul3A_242 = arith.mulf %mul3A_241, %slice3A_239 : vector<1000x128xf32>
    %tanh3A_243 = math.tanh %mul3A_242 : vector<1000x128xf32>
    %mul3A_244 = arith.constant 5.000000e-01 : f32
    %mul3A_245 = vector.broadcast %mul3A_244 : f32 to vector<1000x128xf32>
    %mul3A_246 = arith.mulf %mul3A_245, %tanh3A_243 : vector<1000x128xf32>
    %add3A_247 = arith.constant 5.000000e-01 : f32
    %add3A_248 = vector.broadcast %add3A_247 : f32 to vector<1000x128xf32>
    %add3A_249 = arith.addf %mul3A_246, %add3A_248 : vector<1000x128xf32>
    %slice3A_250 = vector.extract_strided_slice %add3A_227 {offsets = [0, 256], sizes = [1000, 128], strides = [1, 1]} : vector<1000x512xf32> to vector<1000x128xf32>
    %tanh3A_251 = math.tanh %slice3A_250 : vector<1000x128xf32>
    %slice3A_252 = vector.extract_strided_slice %add3A_227 {offsets = [0, 384], sizes = [1000, 128], strides = [1, 1]} : vector<1000x512xf32> to vector<1000x128xf32>
    %mul3A_253 = arith.constant 5.000000e-01 : f32
    %mul3A_254 = vector.broadcast %mul3A_253 : f32 to vector<1000x128xf32>
    %mul3A_255 = arith.mulf %mul3A_254, %slice3A_252 : vector<1000x128xf32>
    %tanh3A_256 = math.tanh %mul3A_255 : vector<1000x128xf32>
    %mul3A_257 = arith.constant 5.000000e-01 : f32
    %mul3A_258 = vector.broadcast %mul3A_257 : f32 to vector<1000x128xf32>
    %mul3A_259 = arith.mulf %mul3A_258, %tanh3A_256 : vector<1000x128xf32>
    %add3A_260 = arith.constant 5.000000e-01 : f32
    %add3A_261 = vector.broadcast %add3A_260 : f32 to vector<1000x128xf32>
    %add3A_262 = arith.addf %mul3A_259, %add3A_261 : vector<1000x128xf32>
    %mul3A_263 = arith.mulf %add3A_249, %add3A_213 : vector<1000x128xf32>
    %mul3A_264 = arith.mulf %add3A_238, %tanh3A_251 : vector<1000x128xf32>
    %add3A_265 = arith.addf %mul3A_263, %mul3A_264 : vector<1000x128xf32>
    %tanh3A_266 = math.tanh %add3A_265 : vector<1000x128xf32>
    %mul3A_267 = arith.mulf %add3A_262, %tanh3A_266 : vector<1000x128xf32>
    %get3A_268 = arith.constant 5 : index
    %get3A_269 = arith.constant 0 : index
    %get3A_270 = arith.constant 0 : index
    %get3A_271 = vector.load %arg3[%get3A_268, %get3A_269, %get3A_270] : memref<16x256x512xf32, #tpu.memory_space<vmem>>, vector<1x256x512xf32>
    %get3A_272 = vector.shape_cast %get3A_271 : vector<1x256x512xf32> to vector<256x512xf32>
    %dot_general3A_273 = arith.constant dense<0.000000e+00> : vector<1000x512xf32>
    %dot_general3A_274 = tpu.matmul %get3A_3, %get3A_272, %dot_general3A_273 {dimension_numbers = #tpu.dot_dimension_numbers<[1], [0], [0], [1], [0, 0, 1, 1], [], []>, transpose_lhs_hint = false} : vector<1000x256xf32>, vector<256x512xf32>, vector<1000x512xf32> -> vector<1000x512xf32>
    %dot_general3A_275 = arith.constant dense<0.000000e+00> : vector<1000x512xf32>
    %dot_general3A_276 = tpu.matmul %mul3A_267, %get3A_9, %dot_general3A_275 {dimension_numbers = #tpu.dot_dimension_numbers<[1], [0], [0], [1], [0, 0, 1, 1], [], []>, transpose_lhs_hint = false} : vector<1000x128xf32>, vector<128x512xf32>, vector<1000x512xf32> -> vector<1000x512xf32>
    %add3A_277 = arith.addf %dot_general3A_274, %dot_general3A_276 : vector<1000x512xf32>
    %add3A_278 = vector.broadcast %get3A_12 : vector<1x512xf32> to vector<1000x512xf32>
    %add3A_279 = arith.addf %add3A_277, %add3A_278 : vector<1000x512xf32>
    %slice3A_280 = vector.extract_strided_slice %add3A_279 {offsets = [0, 0], sizes = [1000, 128], strides = [1, 1]} : vector<1000x512xf32> to vector<1000x128xf32>
    %mul3A_281 = arith.constant 5.000000e-01 : f32
    %mul3A_282 = vector.broadcast %mul3A_281 : f32 to vector<1000x128xf32>
    %mul3A_283 = arith.mulf %mul3A_282, %slice3A_280 : vector<1000x128xf32>
    %tanh3A_284 = math.tanh %mul3A_283 : vector<1000x128xf32>
    %mul3A_285 = arith.constant 5.000000e-01 : f32
    %mul3A_286 = vector.broadcast %mul3A_285 : f32 to vector<1000x128xf32>
    %mul3A_287 = arith.mulf %mul3A_286, %tanh3A_284 : vector<1000x128xf32>
    %add3A_288 = arith.constant 5.000000e-01 : f32
    %add3A_289 = vector.broadcast %add3A_288 : f32 to vector<1000x128xf32>
    %add3A_290 = arith.addf %mul3A_287, %add3A_289 : vector<1000x128xf32>
    %slice3A_291 = vector.extract_strided_slice %add3A_279 {offsets = [0, 128], sizes = [1000, 128], strides = [1, 1]} : vector<1000x512xf32> to vector<1000x128xf32>
    %mul3A_292 = arith.constant 5.000000e-01 : f32
    %mul3A_293 = vector.broadcast %mul3A_292 : f32 to vector<1000x128xf32>
    %mul3A_294 = arith.mulf %mul3A_293, %slice3A_291 : vector<1000x128xf32>
    %tanh3A_295 = math.tanh %mul3A_294 : vector<1000x128xf32>
    %mul3A_296 = arith.constant 5.000000e-01 : f32
    %mul3A_297 = vector.broadcast %mul3A_296 : f32 to vector<1000x128xf32>
    %mul3A_298 = arith.mulf %mul3A_297, %tanh3A_295 : vector<1000x128xf32>
    %add3A_299 = arith.constant 5.000000e-01 : f32
    %add3A_300 = vector.broadcast %add3A_299 : f32 to vector<1000x128xf32>
    %add3A_301 = arith.addf %mul3A_298, %add3A_300 : vector<1000x128xf32>
    %slice3A_302 = vector.extract_strided_slice %add3A_279 {offsets = [0, 256], sizes = [1000, 128], strides = [1, 1]} : vector<1000x512xf32> to vector<1000x128xf32>
    %tanh3A_303 = math.tanh %slice3A_302 : vector<1000x128xf32>
    %slice3A_304 = vector.extract_strided_slice %add3A_279 {offsets = [0, 384], sizes = [1000, 128], strides = [1, 1]} : vector<1000x512xf32> to vector<1000x128xf32>
    %mul3A_305 = arith.constant 5.000000e-01 : f32
    %mul3A_306 = vector.broadcast %mul3A_305 : f32 to vector<1000x128xf32>
    %mul3A_307 = arith.mulf %mul3A_306, %slice3A_304 : vector<1000x128xf32>
    %tanh3A_308 = math.tanh %mul3A_307 : vector<1000x128xf32>
    %mul3A_309 = arith.constant 5.000000e-01 : f32
    %mul3A_310 = vector.broadcast %mul3A_309 : f32 to vector<1000x128xf32>
    %mul3A_311 = arith.mulf %mul3A_310, %tanh3A_308 : vector<1000x128xf32>
    %add3A_312 = arith.constant 5.000000e-01 : f32
    %add3A_313 = vector.broadcast %add3A_312 : f32 to vector<1000x128xf32>
    %add3A_314 = arith.addf %mul3A_311, %add3A_313 : vector<1000x128xf32>
    %mul3A_315 = arith.mulf %add3A_301, %add3A_265 : vector<1000x128xf32>
    %mul3A_316 = arith.mulf %add3A_290, %tanh3A_303 : vector<1000x128xf32>
    %add3A_317 = arith.addf %mul3A_315, %mul3A_316 : vector<1000x128xf32>
    %tanh3A_318 = math.tanh %add3A_317 : vector<1000x128xf32>
    %mul3A_319 = arith.mulf %add3A_314, %tanh3A_318 : vector<1000x128xf32>
    %get3A_320 = arith.constant 6 : index
    %get3A_321 = arith.constant 0 : index
    %get3A_322 = arith.constant 0 : index
    %get3A_323 = vector.load %arg3[%get3A_320, %get3A_321, %get3A_322] : memref<16x256x512xf32, #tpu.memory_space<vmem>>, vector<1x256x512xf32>
    %get3A_324 = vector.shape_cast %get3A_323 : vector<1x256x512xf32> to vector<256x512xf32>
    %dot_general3A_325 = arith.constant dense<0.000000e+00> : vector<1000x512xf32>
    %dot_general3A_326 = tpu.matmul %get3A_3, %get3A_324, %dot_general3A_325 {dimension_numbers = #tpu.dot_dimension_numbers<[1], [0], [0], [1], [0, 0, 1, 1], [], []>, transpose_lhs_hint = false} : vector<1000x256xf32>, vector<256x512xf32>, vector<1000x512xf32> -> vector<1000x512xf32>
    %dot_general3A_327 = arith.constant dense<0.000000e+00> : vector<1000x512xf32>
    %dot_general3A_328 = tpu.matmul %mul3A_319, %get3A_9, %dot_general3A_327 {dimension_numbers = #tpu.dot_dimension_numbers<[1], [0], [0], [1], [0, 0, 1, 1], [], []>, transpose_lhs_hint = false} : vector<1000x128xf32>, vector<128x512xf32>, vector<1000x512xf32> -> vector<1000x512xf32>
    %add3A_329 = arith.addf %dot_general3A_326, %dot_general3A_328 : vector<1000x512xf32>
    %add3A_330 = vector.broadcast %get3A_12 : vector<1x512xf32> to vector<1000x512xf32>
    %add3A_331 = arith.addf %add3A_329, %add3A_330 : vector<1000x512xf32>
    %slice3A_332 = vector.extract_strided_slice %add3A_331 {offsets = [0, 0], sizes = [1000, 128], strides = [1, 1]} : vector<1000x512xf32> to vector<1000x128xf32>
    %mul3A_333 = arith.constant 5.000000e-01 : f32
    %mul3A_334 = vector.broadcast %mul3A_333 : f32 to vector<1000x128xf32>
    %mul3A_335 = arith.mulf %mul3A_334, %slice3A_332 : vector<1000x128xf32>
    %tanh3A_336 = math.tanh %mul3A_335 : vector<1000x128xf32>
    %mul3A_337 = arith.constant 5.000000e-01 : f32
    %mul3A_338 = vector.broadcast %mul3A_337 : f32 to vector<1000x128xf32>
    %mul3A_339 = arith.mulf %mul3A_338, %tanh3A_336 : vector<1000x128xf32>
    %add3A_340 = arith.constant 5.000000e-01 : f32
    %add3A_341 = vector.broadcast %add3A_340 : f32 to vector<1000x128xf32>
    %add3A_342 = arith.addf %mul3A_339, %add3A_341 : vector<1000x128xf32>
    %slice3A_343 = vector.extract_strided_slice %add3A_331 {offsets = [0, 128], sizes = [1000, 128], strides = [1, 1]} : vector<1000x512xf32> to vector<1000x128xf32>
    %mul3A_344 = arith.constant 5.000000e-01 : f32
    %mul3A_345 = vector.broadcast %mul3A_344 : f32 to vector<1000x128xf32>
    %mul3A_346 = arith.mulf %mul3A_345, %slice3A_343 : vector<1000x128xf32>
    %tanh3A_347 = math.tanh %mul3A_346 : vector<1000x128xf32>
    %mul3A_348 = arith.constant 5.000000e-01 : f32
    %mul3A_349 = vector.broadcast %mul3A_348 : f32 to vector<1000x128xf32>
    %mul3A_350 = arith.mulf %mul3A_349, %tanh3A_347 : vector<1000x128xf32>
    %add3A_351 = arith.constant 5.000000e-01 : f32
    %add3A_352 = vector.broadcast %add3A_351 : f32 to vector<1000x128xf32>
    %add3A_353 = arith.addf %mul3A_350, %add3A_352 : vector<1000x128xf32>
    %slice3A_354 = vector.extract_strided_slice %add3A_331 {offsets = [0, 256], sizes = [1000, 128], strides = [1, 1]} : vector<1000x512xf32> to vector<1000x128xf32>
    %tanh3A_355 = math.tanh %slice3A_354 : vector<1000x128xf32>
    %slice3A_356 = vector.extract_strided_slice %add3A_331 {offsets = [0, 384], sizes = [1000, 128], strides = [1, 1]} : vector<1000x512xf32> to vector<1000x128xf32>
    %mul3A_357 = arith.constant 5.000000e-01 : f32
    %mul3A_358 = vector.broadcast %mul3A_357 : f32 to vector<1000x128xf32>
    %mul3A_359 = arith.mulf %mul3A_358, %slice3A_356 : vector<1000x128xf32>
    %tanh3A_360 = math.tanh %mul3A_359 : vector<1000x128xf32>
    %mul3A_361 = arith.constant 5.000000e-01 : f32
    %mul3A_362 = vector.broadcast %mul3A_361 : f32 to vector<1000x128xf32>
    %mul3A_363 = arith.mulf %mul3A_362, %tanh3A_360 : vector<1000x128xf32>
    %add3A_364 = arith.constant 5.000000e-01 : f32
    %add3A_365 = vector.broadcast %add3A_364 : f32 to vector<1000x128xf32>
    %add3A_366 = arith.addf %mul3A_363, %add3A_365 : vector<1000x128xf32>
    %mul3A_367 = arith.mulf %add3A_353, %add3A_317 : vector<1000x128xf32>
    %mul3A_368 = arith.mulf %add3A_342, %tanh3A_355 : vector<1000x128xf32>
    %add3A_369 = arith.addf %mul3A_367, %mul3A_368 : vector<1000x128xf32>
    %tanh3A_370 = math.tanh %add3A_369 : vector<1000x128xf32>
    %mul3A_371 = arith.mulf %add3A_366, %tanh3A_370 : vector<1000x128xf32>
    %get3A_372 = arith.constant 7 : index
    %get3A_373 = arith.constant 0 : index
    %get3A_374 = arith.constant 0 : index
    %get3A_375 = vector.load %arg3[%get3A_372, %get3A_373, %get3A_374] : memref<16x256x512xf32, #tpu.memory_space<vmem>>, vector<1x256x512xf32>
    %get3A_376 = vector.shape_cast %get3A_375 : vector<1x256x512xf32> to vector<256x512xf32>
    %dot_general3A_377 = arith.constant dense<0.000000e+00> : vector<1000x512xf32>
    %dot_general3A_378 = tpu.matmul %get3A_3, %get3A_376, %dot_general3A_377 {dimension_numbers = #tpu.dot_dimension_numbers<[1], [0], [0], [1], [0, 0, 1, 1], [], []>, transpose_lhs_hint = false} : vector<1000x256xf32>, vector<256x512xf32>, vector<1000x512xf32> -> vector<1000x512xf32>
    %dot_general3A_379 = arith.constant dense<0.000000e+00> : vector<1000x512xf32>
    %dot_general3A_380 = tpu.matmul %mul3A_371, %get3A_9, %dot_general3A_379 {dimension_numbers = #tpu.dot_dimension_numbers<[1], [0], [0], [1], [0, 0, 1, 1], [], []>, transpose_lhs_hint = false} : vector<1000x128xf32>, vector<128x512xf32>, vector<1000x512xf32> -> vector<1000x512xf32>
    %add3A_381 = arith.addf %dot_general3A_378, %dot_general3A_380 : vector<1000x512xf32>
    %add3A_382 = vector.broadcast %get3A_12 : vector<1x512xf32> to vector<1000x512xf32>
    %add3A_383 = arith.addf %add3A_381, %add3A_382 : vector<1000x512xf32>
    %slice3A_384 = vector.extract_strided_slice %add3A_383 {offsets = [0, 0], sizes = [1000, 128], strides = [1, 1]} : vector<1000x512xf32> to vector<1000x128xf32>
    %mul3A_385 = arith.constant 5.000000e-01 : f32
    %mul3A_386 = vector.broadcast %mul3A_385 : f32 to vector<1000x128xf32>
    %mul3A_387 = arith.mulf %mul3A_386, %slice3A_384 : vector<1000x128xf32>
    %tanh3A_388 = math.tanh %mul3A_387 : vector<1000x128xf32>
    %mul3A_389 = arith.constant 5.000000e-01 : f32
    %mul3A_390 = vector.broadcast %mul3A_389 : f32 to vector<1000x128xf32>
    %mul3A_391 = arith.mulf %mul3A_390, %tanh3A_388 : vector<1000x128xf32>
    %add3A_392 = arith.constant 5.000000e-01 : f32
    %add3A_393 = vector.broadcast %add3A_392 : f32 to vector<1000x128xf32>
    %add3A_394 = arith.addf %mul3A_391, %add3A_393 : vector<1000x128xf32>
    %slice3A_395 = vector.extract_strided_slice %add3A_383 {offsets = [0, 128], sizes = [1000, 128], strides = [1, 1]} : vector<1000x512xf32> to vector<1000x128xf32>
    %mul3A_396 = arith.constant 5.000000e-01 : f32
    %mul3A_397 = vector.broadcast %mul3A_396 : f32 to vector<1000x128xf32>
    %mul3A_398 = arith.mulf %mul3A_397, %slice3A_395 : vector<1000x128xf32>
    %tanh3A_399 = math.tanh %mul3A_398 : vector<1000x128xf32>
    %mul3A_400 = arith.constant 5.000000e-01 : f32
    %mul3A_401 = vector.broadcast %mul3A_400 : f32 to vector<1000x128xf32>
    %mul3A_402 = arith.mulf %mul3A_401, %tanh3A_399 : vector<1000x128xf32>
    %add3A_403 = arith.constant 5.000000e-01 : f32
    %add3A_404 = vector.broadcast %add3A_403 : f32 to vector<1000x128xf32>
    %add3A_405 = arith.addf %mul3A_402, %add3A_404 : vector<1000x128xf32>
    %slice3A_406 = vector.extract_strided_slice %add3A_383 {offsets = [0, 256], sizes = [1000, 128], strides = [1, 1]} : vector<1000x512xf32> to vector<1000x128xf32>
    %tanh3A_407 = math.tanh %slice3A_406 : vector<1000x128xf32>
    %slice3A_408 = vector.extract_strided_slice %add3A_383 {offsets = [0, 384], sizes = [1000, 128], strides = [1, 1]} : vector<1000x512xf32> to vector<1000x128xf32>
    %mul3A_409 = arith.constant 5.000000e-01 : f32
    %mul3A_410 = vector.broadcast %mul3A_409 : f32 to vector<1000x128xf32>
    %mul3A_411 = arith.mulf %mul3A_410, %slice3A_408 : vector<1000x128xf32>
    %tanh3A_412 = math.tanh %mul3A_411 : vector<1000x128xf32>
    %mul3A_413 = arith.constant 5.000000e-01 : f32
    %mul3A_414 = vector.broadcast %mul3A_413 : f32 to vector<1000x128xf32>
    %mul3A_415 = arith.mulf %mul3A_414, %tanh3A_412 : vector<1000x128xf32>
    %add3A_416 = arith.constant 5.000000e-01 : f32
    %add3A_417 = vector.broadcast %add3A_416 : f32 to vector<1000x128xf32>
    %add3A_418 = arith.addf %mul3A_415, %add3A_417 : vector<1000x128xf32>
    %mul3A_419 = arith.mulf %add3A_405, %add3A_369 : vector<1000x128xf32>
    %mul3A_420 = arith.mulf %add3A_394, %tanh3A_407 : vector<1000x128xf32>
    %add3A_421 = arith.addf %mul3A_419, %mul3A_420 : vector<1000x128xf32>
    %tanh3A_422 = math.tanh %add3A_421 : vector<1000x128xf32>
    %mul3A_423 = arith.mulf %add3A_418, %tanh3A_422 : vector<1000x128xf32>
    %get3A_424 = arith.constant 8 : index
    %get3A_425 = arith.constant 0 : index
    %get3A_426 = arith.constant 0 : index
    %get3A_427 = vector.load %arg3[%get3A_424, %get3A_425, %get3A_426] : memref<16x256x512xf32, #tpu.memory_space<vmem>>, vector<1x256x512xf32>
    %get3A_428 = vector.shape_cast %get3A_427 : vector<1x256x512xf32> to vector<256x512xf32>
    %dot_general3A_429 = arith.constant dense<0.000000e+00> : vector<1000x512xf32>
    %dot_general3A_430 = tpu.matmul %get3A_3, %get3A_428, %dot_general3A_429 {dimension_numbers = #tpu.dot_dimension_numbers<[1], [0], [0], [1], [0, 0, 1, 1], [], []>, transpose_lhs_hint = false} : vector<1000x256xf32>, vector<256x512xf32>, vector<1000x512xf32> -> vector<1000x512xf32>
    %dot_general3A_431 = arith.constant dense<0.000000e+00> : vector<1000x512xf32>
    %dot_general3A_432 = tpu.matmul %mul3A_423, %get3A_9, %dot_general3A_431 {dimension_numbers = #tpu.dot_dimension_numbers<[1], [0], [0], [1], [0, 0, 1, 1], [], []>, transpose_lhs_hint = false} : vector<1000x128xf32>, vector<128x512xf32>, vector<1000x512xf32> -> vector<1000x512xf32>
    %add3A_433 = arith.addf %dot_general3A_430, %dot_general3A_432 : vector<1000x512xf32>
    %add3A_434 = vector.broadcast %get3A_12 : vector<1x512xf32> to vector<1000x512xf32>
    %add3A_435 = arith.addf %add3A_433, %add3A_434 : vector<1000x512xf32>
    %slice3A_436 = vector.extract_strided_slice %add3A_435 {offsets = [0, 0], sizes = [1000, 128], strides = [1, 1]} : vector<1000x512xf32> to vector<1000x128xf32>
    %mul3A_437 = arith.constant 5.000000e-01 : f32
    %mul3A_438 = vector.broadcast %mul3A_437 : f32 to vector<1000x128xf32>
    %mul3A_439 = arith.mulf %mul3A_438, %slice3A_436 : vector<1000x128xf32>
    %tanh3A_440 = math.tanh %mul3A_439 : vector<1000x128xf32>
    %mul3A_441 = arith.constant 5.000000e-01 : f32
    %mul3A_442 = vector.broadcast %mul3A_441 : f32 to vector<1000x128xf32>
    %mul3A_443 = arith.mulf %mul3A_442, %tanh3A_440 : vector<1000x128xf32>
    %add3A_444 = arith.constant 5.000000e-01 : f32
    %add3A_445 = vector.broadcast %add3A_444 : f32 to vector<1000x128xf32>
    %add3A_446 = arith.addf %mul3A_443, %add3A_445 : vector<1000x128xf32>
    %slice3A_447 = vector.extract_strided_slice %add3A_435 {offsets = [0, 128], sizes = [1000, 128], strides = [1, 1]} : vector<1000x512xf32> to vector<1000x128xf32>
    %mul3A_448 = arith.constant 5.000000e-01 : f32
    %mul3A_449 = vector.broadcast %mul3A_448 : f32 to vector<1000x128xf32>
    %mul3A_450 = arith.mulf %mul3A_449, %slice3A_447 : vector<1000x128xf32>
    %tanh3A_451 = math.tanh %mul3A_450 : vector<1000x128xf32>
    %mul3A_452 = arith.constant 5.000000e-01 : f32
    %mul3A_453 = vector.broadcast %mul3A_452 : f32 to vector<1000x128xf32>
    %mul3A_454 = arith.mulf %mul3A_453, %tanh3A_451 : vector<1000x128xf32>
    %add3A_455 = arith.constant 5.000000e-01 : f32
    %add3A_456 = vector.broadcast %add3A_455 : f32 to vector<1000x128xf32>
    %add3A_457 = arith.addf %mul3A_454, %add3A_456 : vector<1000x128xf32>
    %slice3A_458 = vector.extract_strided_slice %add3A_435 {offsets = [0, 256], sizes = [1000, 128], strides = [1, 1]} : vector<1000x512xf32> to vector<1000x128xf32>
    %tanh3A_459 = math.tanh %slice3A_458 : vector<1000x128xf32>
    %slice3A_460 = vector.extract_strided_slice %add3A_435 {offsets = [0, 384], sizes = [1000, 128], strides = [1, 1]} : vector<1000x512xf32> to vector<1000x128xf32>
    %mul3A_461 = arith.constant 5.000000e-01 : f32
    %mul3A_462 = vector.broadcast %mul3A_461 : f32 to vector<1000x128xf32>
    %mul3A_463 = arith.mulf %mul3A_462, %slice3A_460 : vector<1000x128xf32>
    %tanh3A_464 = math.tanh %mul3A_463 : vector<1000x128xf32>
    %mul3A_465 = arith.constant 5.000000e-01 : f32
    %mul3A_466 = vector.broadcast %mul3A_465 : f32 to vector<1000x128xf32>
    %mul3A_467 = arith.mulf %mul3A_466, %tanh3A_464 : vector<1000x128xf32>
    %add3A_468 = arith.constant 5.000000e-01 : f32
    %add3A_469 = vector.broadcast %add3A_468 : f32 to vector<1000x128xf32>
    %add3A_470 = arith.addf %mul3A_467, %add3A_469 : vector<1000x128xf32>
    %mul3A_471 = arith.mulf %add3A_457, %add3A_421 : vector<1000x128xf32>
    %mul3A_472 = arith.mulf %add3A_446, %tanh3A_459 : vector<1000x128xf32>
    %add3A_473 = arith.addf %mul3A_471, %mul3A_472 : vector<1000x128xf32>
    %tanh3A_474 = math.tanh %add3A_473 : vector<1000x128xf32>
    %mul3A_475 = arith.mulf %add3A_470, %tanh3A_474 : vector<1000x128xf32>
    %get3A_476 = arith.constant 9 : index
    %get3A_477 = arith.constant 0 : index
    %get3A_478 = arith.constant 0 : index
    %get3A_479 = vector.load %arg3[%get3A_476, %get3A_477, %get3A_478] : memref<16x256x512xf32, #tpu.memory_space<vmem>>, vector<1x256x512xf32>
    %get3A_480 = vector.shape_cast %get3A_479 : vector<1x256x512xf32> to vector<256x512xf32>
    %dot_general3A_481 = arith.constant dense<0.000000e+00> : vector<1000x512xf32>
    %dot_general3A_482 = tpu.matmul %get3A_3, %get3A_480, %dot_general3A_481 {dimension_numbers = #tpu.dot_dimension_numbers<[1], [0], [0], [1], [0, 0, 1, 1], [], []>, transpose_lhs_hint = false} : vector<1000x256xf32>, vector<256x512xf32>, vector<1000x512xf32> -> vector<1000x512xf32>
    %dot_general3A_483 = arith.constant dense<0.000000e+00> : vector<1000x512xf32>
    %dot_general3A_484 = tpu.matmul %mul3A_475, %get3A_9, %dot_general3A_483 {dimension_numbers = #tpu.dot_dimension_numbers<[1], [0], [0], [1], [0, 0, 1, 1], [], []>, transpose_lhs_hint = false} : vector<1000x128xf32>, vector<128x512xf32>, vector<1000x512xf32> -> vector<1000x512xf32>
    %add3A_485 = arith.addf %dot_general3A_482, %dot_general3A_484 : vector<1000x512xf32>
    %add3A_486 = vector.broadcast %get3A_12 : vector<1x512xf32> to vector<1000x512xf32>
    %add3A_487 = arith.addf %add3A_485, %add3A_486 : vector<1000x512xf32>
    %slice3A_488 = vector.extract_strided_slice %add3A_487 {offsets = [0, 0], sizes = [1000, 128], strides = [1, 1]} : vector<1000x512xf32> to vector<1000x128xf32>
    %mul3A_489 = arith.constant 5.000000e-01 : f32
    %mul3A_490 = vector.broadcast %mul3A_489 : f32 to vector<1000x128xf32>
    %mul3A_491 = arith.mulf %mul3A_490, %slice3A_488 : vector<1000x128xf32>
    %tanh3A_492 = math.tanh %mul3A_491 : vector<1000x128xf32>
    %mul3A_493 = arith.constant 5.000000e-01 : f32
    %mul3A_494 = vector.broadcast %mul3A_493 : f32 to vector<1000x128xf32>
    %mul3A_495 = arith.mulf %mul3A_494, %tanh3A_492 : vector<1000x128xf32>
    %add3A_496 = arith.constant 5.000000e-01 : f32
    %add3A_497 = vector.broadcast %add3A_496 : f32 to vector<1000x128xf32>
    %add3A_498 = arith.addf %mul3A_495, %add3A_497 : vector<1000x128xf32>
    %slice3A_499 = vector.extract_strided_slice %add3A_487 {offsets = [0, 128], sizes = [1000, 128], strides = [1, 1]} : vector<1000x512xf32> to vector<1000x128xf32>
    %mul3A_500 = arith.constant 5.000000e-01 : f32
    %mul3A_501 = vector.broadcast %mul3A_500 : f32 to vector<1000x128xf32>
    %mul3A_502 = arith.mulf %mul3A_501, %slice3A_499 : vector<1000x128xf32>
    %tanh3A_503 = math.tanh %mul3A_502 : vector<1000x128xf32>
    %mul3A_504 = arith.constant 5.000000e-01 : f32
    %mul3A_505 = vector.broadcast %mul3A_504 : f32 to vector<1000x128xf32>
    %mul3A_506 = arith.mulf %mul3A_505, %tanh3A_503 : vector<1000x128xf32>
    %add3A_507 = arith.constant 5.000000e-01 : f32
    %add3A_508 = vector.broadcast %add3A_507 : f32 to vector<1000x128xf32>
    %add3A_509 = arith.addf %mul3A_506, %add3A_508 : vector<1000x128xf32>
    %slice3A_510 = vector.extract_strided_slice %add3A_487 {offsets = [0, 256], sizes = [1000, 128], strides = [1, 1]} : vector<1000x512xf32> to vector<1000x128xf32>
    %tanh3A_511 = math.tanh %slice3A_510 : vector<1000x128xf32>
    %slice3A_512 = vector.extract_strided_slice %add3A_487 {offsets = [0, 384], sizes = [1000, 128], strides = [1, 1]} : vector<1000x512xf32> to vector<1000x128xf32>
    %mul3A_513 = arith.constant 5.000000e-01 : f32
    %mul3A_514 = vector.broadcast %mul3A_513 : f32 to vector<1000x128xf32>
    %mul3A_515 = arith.mulf %mul3A_514, %slice3A_512 : vector<1000x128xf32>
    %tanh3A_516 = math.tanh %mul3A_515 : vector<1000x128xf32>
    %mul3A_517 = arith.constant 5.000000e-01 : f32
    %mul3A_518 = vector.broadcast %mul3A_517 : f32 to vector<1000x128xf32>
    %mul3A_519 = arith.mulf %mul3A_518, %tanh3A_516 : vector<1000x128xf32>
    %add3A_520 = arith.constant 5.000000e-01 : f32
    %add3A_521 = vector.broadcast %add3A_520 : f32 to vector<1000x128xf32>
    %add3A_522 = arith.addf %mul3A_519, %add3A_521 : vector<1000x128xf32>
    %mul3A_523 = arith.mulf %add3A_509, %add3A_473 : vector<1000x128xf32>
    %mul3A_524 = arith.mulf %add3A_498, %tanh3A_511 : vector<1000x128xf32>
    %add3A_525 = arith.addf %mul3A_523, %mul3A_524 : vector<1000x128xf32>
    %tanh3A_526 = math.tanh %add3A_525 : vector<1000x128xf32>
    %mul3A_527 = arith.mulf %add3A_522, %tanh3A_526 : vector<1000x128xf32>
    %get3A_528 = arith.constant 10 : index
    %get3A_529 = arith.constant 0 : index
    %get3A_530 = arith.constant 0 : index
    %get3A_531 = vector.load %arg3[%get3A_528, %get3A_529, %get3A_530] : memref<16x256x512xf32, #tpu.memory_space<vmem>>, vector<1x256x512xf32>
    %get3A_532 = vector.shape_cast %get3A_531 : vector<1x256x512xf32> to vector<256x512xf32>
    %dot_general3A_533 = arith.constant dense<0.000000e+00> : vector<1000x512xf32>
    %dot_general3A_534 = tpu.matmul %get3A_3, %get3A_532, %dot_general3A_533 {dimension_numbers = #tpu.dot_dimension_numbers<[1], [0], [0], [1], [0, 0, 1, 1], [], []>, transpose_lhs_hint = false} : vector<1000x256xf32>, vector<256x512xf32>, vector<1000x512xf32> -> vector<1000x512xf32>
    %dot_general3A_535 = arith.constant dense<0.000000e+00> : vector<1000x512xf32>
    %dot_general3A_536 = tpu.matmul %mul3A_527, %get3A_9, %dot_general3A_535 {dimension_numbers = #tpu.dot_dimension_numbers<[1], [0], [0], [1], [0, 0, 1, 1], [], []>, transpose_lhs_hint = false} : vector<1000x128xf32>, vector<128x512xf32>, vector<1000x512xf32> -> vector<1000x512xf32>
    %add3A_537 = arith.addf %dot_general3A_534, %dot_general3A_536 : vector<1000x512xf32>
    %add3A_538 = vector.broadcast %get3A_12 : vector<1x512xf32> to vector<1000x512xf32>
    %add3A_539 = arith.addf %add3A_537, %add3A_538 : vector<1000x512xf32>
    %slice3A_540 = vector.extract_strided_slice %add3A_539 {offsets = [0, 0], sizes = [1000, 128], strides = [1, 1]} : vector<1000x512xf32> to vector<1000x128xf32>
    %mul3A_541 = arith.constant 5.000000e-01 : f32
    %mul3A_542 = vector.broadcast %mul3A_541 : f32 to vector<1000x128xf32>
    %mul3A_543 = arith.mulf %mul3A_542, %slice3A_540 : vector<1000x128xf32>
    %tanh3A_544 = math.tanh %mul3A_543 : vector<1000x128xf32>
    %mul3A_545 = arith.constant 5.000000e-01 : f32
    %mul3A_546 = vector.broadcast %mul3A_545 : f32 to vector<1000x128xf32>
    %mul3A_547 = arith.mulf %mul3A_546, %tanh3A_544 : vector<1000x128xf32>
    %add3A_548 = arith.constant 5.000000e-01 : f32
    %add3A_549 = vector.broadcast %add3A_548 : f32 to vector<1000x128xf32>
    %add3A_550 = arith.addf %mul3A_547, %add3A_549 : vector<1000x128xf32>
    %slice3A_551 = vector.extract_strided_slice %add3A_539 {offsets = [0, 128], sizes = [1000, 128], strides = [1, 1]} : vector<1000x512xf32> to vector<1000x128xf32>
    %mul3A_552 = arith.constant 5.000000e-01 : f32
    %mul3A_553 = vector.broadcast %mul3A_552 : f32 to vector<1000x128xf32>
    %mul3A_554 = arith.mulf %mul3A_553, %slice3A_551 : vector<1000x128xf32>
    %tanh3A_555 = math.tanh %mul3A_554 : vector<1000x128xf32>
    %mul3A_556 = arith.constant 5.000000e-01 : f32
    %mul3A_557 = vector.broadcast %mul3A_556 : f32 to vector<1000x128xf32>
    %mul3A_558 = arith.mulf %mul3A_557, %tanh3A_555 : vector<1000x128xf32>
    %add3A_559 = arith.constant 5.000000e-01 : f32
    %add3A_560 = vector.broadcast %add3A_559 : f32 to vector<1000x128xf32>
    %add3A_561 = arith.addf %mul3A_558, %add3A_560 : vector<1000x128xf32>
    %slice3A_562 = vector.extract_strided_slice %add3A_539 {offsets = [0, 256], sizes = [1000, 128], strides = [1, 1]} : vector<1000x512xf32> to vector<1000x128xf32>
    %tanh3A_563 = math.tanh %slice3A_562 : vector<1000x128xf32>
    %slice3A_564 = vector.extract_strided_slice %add3A_539 {offsets = [0, 384], sizes = [1000, 128], strides = [1, 1]} : vector<1000x512xf32> to vector<1000x128xf32>
    %mul3A_565 = arith.constant 5.000000e-01 : f32
    %mul3A_566 = vector.broadcast %mul3A_565 : f32 to vector<1000x128xf32>
    %mul3A_567 = arith.mulf %mul3A_566, %slice3A_564 : vector<1000x128xf32>
    %tanh3A_568 = math.tanh %mul3A_567 : vector<1000x128xf32>
    %mul3A_569 = arith.constant 5.000000e-01 : f32
    %mul3A_570 = vector.broadcast %mul3A_569 : f32 to vector<1000x128xf32>
    %mul3A_571 = arith.mulf %mul3A_570, %tanh3A_568 : vector<1000x128xf32>
    %add3A_572 = arith.constant 5.000000e-01 : f32
    %add3A_573 = vector.broadcast %add3A_572 : f32 to vector<1000x128xf32>
    %add3A_574 = arith.addf %mul3A_571, %add3A_573 : vector<1000x128xf32>
    %mul3A_575 = arith.mulf %add3A_561, %add3A_525 : vector<1000x128xf32>
    %mul3A_576 = arith.mulf %add3A_550, %tanh3A_563 : vector<1000x128xf32>
    %add3A_577 = arith.addf %mul3A_575, %mul3A_576 : vector<1000x128xf32>
    %tanh3A_578 = math.tanh %add3A_577 : vector<1000x128xf32>
    %mul3A_579 = arith.mulf %add3A_574, %tanh3A_578 : vector<1000x128xf32>
    %get3A_580 = arith.constant 11 : index
    %get3A_581 = arith.constant 0 : index
    %get3A_582 = arith.constant 0 : index
    %get3A_583 = vector.load %arg3[%get3A_580, %get3A_581, %get3A_582] : memref<16x256x512xf32, #tpu.memory_space<vmem>>, vector<1x256x512xf32>
    %get3A_584 = vector.shape_cast %get3A_583 : vector<1x256x512xf32> to vector<256x512xf32>
    %dot_general3A_585 = arith.constant dense<0.000000e+00> : vector<1000x512xf32>
    %dot_general3A_586 = tpu.matmul %get3A_3, %get3A_584, %dot_general3A_585 {dimension_numbers = #tpu.dot_dimension_numbers<[1], [0], [0], [1], [0, 0, 1, 1], [], []>, transpose_lhs_hint = false} : vector<1000x256xf32>, vector<256x512xf32>, vector<1000x512xf32> -> vector<1000x512xf32>
    %dot_general3A_587 = arith.constant dense<0.000000e+00> : vector<1000x512xf32>
    %dot_general3A_588 = tpu.matmul %mul3A_579, %get3A_9, %dot_general3A_587 {dimension_numbers = #tpu.dot_dimension_numbers<[1], [0], [0], [1], [0, 0, 1, 1], [], []>, transpose_lhs_hint = false} : vector<1000x128xf32>, vector<128x512xf32>, vector<1000x512xf32> -> vector<1000x512xf32>
    %add3A_589 = arith.addf %dot_general3A_586, %dot_general3A_588 : vector<1000x512xf32>
    %add3A_590 = vector.broadcast %get3A_12 : vector<1x512xf32> to vector<1000x512xf32>
    %add3A_591 = arith.addf %add3A_589, %add3A_590 : vector<1000x512xf32>
    %slice3A_592 = vector.extract_strided_slice %add3A_591 {offsets = [0, 0], sizes = [1000, 128], strides = [1, 1]} : vector<1000x512xf32> to vector<1000x128xf32>
    %mul3A_593 = arith.constant 5.000000e-01 : f32
    %mul3A_594 = vector.broadcast %mul3A_593 : f32 to vector<1000x128xf32>
    %mul3A_595 = arith.mulf %mul3A_594, %slice3A_592 : vector<1000x128xf32>
    %tanh3A_596 = math.tanh %mul3A_595 : vector<1000x128xf32>
    %mul3A_597 = arith.constant 5.000000e-01 : f32
    %mul3A_598 = vector.broadcast %mul3A_597 : f32 to vector<1000x128xf32>
    %mul3A_599 = arith.mulf %mul3A_598, %tanh3A_596 : vector<1000x128xf32>
    %add3A_600 = arith.constant 5.000000e-01 : f32
    %add3A_601 = vector.broadcast %add3A_600 : f32 to vector<1000x128xf32>
    %add3A_602 = arith.addf %mul3A_599, %add3A_601 : vector<1000x128xf32>
    %slice3A_603 = vector.extract_strided_slice %add3A_591 {offsets = [0, 128], sizes = [1000, 128], strides = [1, 1]} : vector<1000x512xf32> to vector<1000x128xf32>
    %mul3A_604 = arith.constant 5.000000e-01 : f32
    %mul3A_605 = vector.broadcast %mul3A_604 : f32 to vector<1000x128xf32>
    %mul3A_606 = arith.mulf %mul3A_605, %slice3A_603 : vector<1000x128xf32>
    %tanh3A_607 = math.tanh %mul3A_606 : vector<1000x128xf32>
    %mul3A_608 = arith.constant 5.000000e-01 : f32
    %mul3A_609 = vector.broadcast %mul3A_608 : f32 to vector<1000x128xf32>
    %mul3A_610 = arith.mulf %mul3A_609, %tanh3A_607 : vector<1000x128xf32>
    %add3A_611 = arith.constant 5.000000e-01 : f32
    %add3A_612 = vector.broadcast %add3A_611 : f32 to vector<1000x128xf32>
    %add3A_613 = arith.addf %mul3A_610, %add3A_612 : vector<1000x128xf32>
    %slice3A_614 = vector.extract_strided_slice %add3A_591 {offsets = [0, 256], sizes = [1000, 128], strides = [1, 1]} : vector<1000x512xf32> to vector<1000x128xf32>
    %tanh3A_615 = math.tanh %slice3A_614 : vector<1000x128xf32>
    %slice3A_616 = vector.extract_strided_slice %add3A_591 {offsets = [0, 384], sizes = [1000, 128], strides = [1, 1]} : vector<1000x512xf32> to vector<1000x128xf32>
    %mul3A_617 = arith.constant 5.000000e-01 : f32
    %mul3A_618 = vector.broadcast %mul3A_617 : f32 to vector<1000x128xf32>
    %mul3A_619 = arith.mulf %mul3A_618, %slice3A_616 : vector<1000x128xf32>
    %tanh3A_620 = math.tanh %mul3A_619 : vector<1000x128xf32>
    %mul3A_621 = arith.constant 5.000000e-01 : f32
    %mul3A_622 = vector.broadcast %mul3A_621 : f32 to vector<1000x128xf32>
    %mul3A_623 = arith.mulf %mul3A_622, %tanh3A_620 : vector<1000x128xf32>
    %add3A_624 = arith.constant 5.000000e-01 : f32
    %add3A_625 = vector.broadcast %add3A_624 : f32 to vector<1000x128xf32>
    %add3A_626 = arith.addf %mul3A_623, %add3A_625 : vector<1000x128xf32>
    %mul3A_627 = arith.mulf %add3A_613, %add3A_577 : vector<1000x128xf32>
    %mul3A_628 = arith.mulf %add3A_602, %tanh3A_615 : vector<1000x128xf32>
    %add3A_629 = arith.addf %mul3A_627, %mul3A_628 : vector<1000x128xf32>
    %tanh3A_630 = math.tanh %add3A_629 : vector<1000x128xf32>
    %mul3A_631 = arith.mulf %add3A_626, %tanh3A_630 : vector<1000x128xf32>
    %get3A_632 = arith.constant 12 : index
    %get3A_633 = arith.constant 0 : index
    %get3A_634 = arith.constant 0 : index
    %get3A_635 = vector.load %arg3[%get3A_632, %get3A_633, %get3A_634] : memref<16x256x512xf32, #tpu.memory_space<vmem>>, vector<1x256x512xf32>
    %get3A_636 = vector.shape_cast %get3A_635 : vector<1x256x512xf32> to vector<256x512xf32>
    %dot_general3A_637 = arith.constant dense<0.000000e+00> : vector<1000x512xf32>
    %dot_general3A_638 = tpu.matmul %get3A_3, %get3A_636, %dot_general3A_637 {dimension_numbers = #tpu.dot_dimension_numbers<[1], [0], [0], [1], [0, 0, 1, 1], [], []>, transpose_lhs_hint = false} : vector<1000x256xf32>, vector<256x512xf32>, vector<1000x512xf32> -> vector<1000x512xf32>
    %dot_general3A_639 = arith.constant dense<0.000000e+00> : vector<1000x512xf32>
    %dot_general3A_640 = tpu.matmul %mul3A_631, %get3A_9, %dot_general3A_639 {dimension_numbers = #tpu.dot_dimension_numbers<[1], [0], [0], [1], [0, 0, 1, 1], [], []>, transpose_lhs_hint = false} : vector<1000x128xf32>, vector<128x512xf32>, vector<1000x512xf32> -> vector<1000x512xf32>
    %add3A_641 = arith.addf %dot_general3A_638, %dot_general3A_640 : vector<1000x512xf32>
    %add3A_642 = vector.broadcast %get3A_12 : vector<1x512xf32> to vector<1000x512xf32>
    %add3A_643 = arith.addf %add3A_641, %add3A_642 : vector<1000x512xf32>
    %slice3A_644 = vector.extract_strided_slice %add3A_643 {offsets = [0, 0], sizes = [1000, 128], strides = [1, 1]} : vector<1000x512xf32> to vector<1000x128xf32>
    %mul3A_645 = arith.constant 5.000000e-01 : f32
    %mul3A_646 = vector.broadcast %mul3A_645 : f32 to vector<1000x128xf32>
    %mul3A_647 = arith.mulf %mul3A_646, %slice3A_644 : vector<1000x128xf32>
    %tanh3A_648 = math.tanh %mul3A_647 : vector<1000x128xf32>
    %mul3A_649 = arith.constant 5.000000e-01 : f32
    %mul3A_650 = vector.broadcast %mul3A_649 : f32 to vector<1000x128xf32>
    %mul3A_651 = arith.mulf %mul3A_650, %tanh3A_648 : vector<1000x128xf32>
    %add3A_652 = arith.constant 5.000000e-01 : f32
    %add3A_653 = vector.broadcast %add3A_652 : f32 to vector<1000x128xf32>
    %add3A_654 = arith.addf %mul3A_651, %add3A_653 : vector<1000x128xf32>
    %slice3A_655 = vector.extract_strided_slice %add3A_643 {offsets = [0, 128], sizes = [1000, 128], strides = [1, 1]} : vector<1000x512xf32> to vector<1000x128xf32>
    %mul3A_656 = arith.constant 5.000000e-01 : f32
    %mul3A_657 = vector.broadcast %mul3A_656 : f32 to vector<1000x128xf32>
    %mul3A_658 = arith.mulf %mul3A_657, %slice3A_655 : vector<1000x128xf32>
    %tanh3A_659 = math.tanh %mul3A_658 : vector<1000x128xf32>
    %mul3A_660 = arith.constant 5.000000e-01 : f32
    %mul3A_661 = vector.broadcast %mul3A_660 : f32 to vector<1000x128xf32>
    %mul3A_662 = arith.mulf %mul3A_661, %tanh3A_659 : vector<1000x128xf32>
    %add3A_663 = arith.constant 5.000000e-01 : f32
    %add3A_664 = vector.broadcast %add3A_663 : f32 to vector<1000x128xf32>
    %add3A_665 = arith.addf %mul3A_662, %add3A_664 : vector<1000x128xf32>
    %slice3A_666 = vector.extract_strided_slice %add3A_643 {offsets = [0, 256], sizes = [1000, 128], strides = [1, 1]} : vector<1000x512xf32> to vector<1000x128xf32>
    %tanh3A_667 = math.tanh %slice3A_666 : vector<1000x128xf32>
    %slice3A_668 = vector.extract_strided_slice %add3A_643 {offsets = [0, 384], sizes = [1000, 128], strides = [1, 1]} : vector<1000x512xf32> to vector<1000x128xf32>
    %mul3A_669 = arith.constant 5.000000e-01 : f32
    %mul3A_670 = vector.broadcast %mul3A_669 : f32 to vector<1000x128xf32>
    %mul3A_671 = arith.mulf %mul3A_670, %slice3A_668 : vector<1000x128xf32>
    %tanh3A_672 = math.tanh %mul3A_671 : vector<1000x128xf32>
    %mul3A_673 = arith.constant 5.000000e-01 : f32
    %mul3A_674 = vector.broadcast %mul3A_673 : f32 to vector<1000x128xf32>
    %mul3A_675 = arith.mulf %mul3A_674, %tanh3A_672 : vector<1000x128xf32>
    %add3A_676 = arith.constant 5.000000e-01 : f32
    %add3A_677 = vector.broadcast %add3A_676 : f32 to vector<1000x128xf32>
    %add3A_678 = arith.addf %mul3A_675, %add3A_677 : vector<1000x128xf32>
    %mul3A_679 = arith.mulf %add3A_665, %add3A_629 : vector<1000x128xf32>
    %mul3A_680 = arith.mulf %add3A_654, %tanh3A_667 : vector<1000x128xf32>
    %add3A_681 = arith.addf %mul3A_679, %mul3A_680 : vector<1000x128xf32>
    %tanh3A_682 = math.tanh %add3A_681 : vector<1000x128xf32>
    %mul3A_683 = arith.mulf %add3A_678, %tanh3A_682 : vector<1000x128xf32>
    %get3A_684 = arith.constant 13 : index
    %get3A_685 = arith.constant 0 : index
    %get3A_686 = arith.constant 0 : index
    %get3A_687 = vector.load %arg3[%get3A_684, %get3A_685, %get3A_686] : memref<16x256x512xf32, #tpu.memory_space<vmem>>, vector<1x256x512xf32>
    %get3A_688 = vector.shape_cast %get3A_687 : vector<1x256x512xf32> to vector<256x512xf32>
    %dot_general3A_689 = arith.constant dense<0.000000e+00> : vector<1000x512xf32>
    %dot_general3A_690 = tpu.matmul %get3A_3, %get3A_688, %dot_general3A_689 {dimension_numbers = #tpu.dot_dimension_numbers<[1], [0], [0], [1], [0, 0, 1, 1], [], []>, transpose_lhs_hint = false} : vector<1000x256xf32>, vector<256x512xf32>, vector<1000x512xf32> -> vector<1000x512xf32>
    %dot_general3A_691 = arith.constant dense<0.000000e+00> : vector<1000x512xf32>
    %dot_general3A_692 = tpu.matmul %mul3A_683, %get3A_9, %dot_general3A_691 {dimension_numbers = #tpu.dot_dimension_numbers<[1], [0], [0], [1], [0, 0, 1, 1], [], []>, transpose_lhs_hint = false} : vector<1000x128xf32>, vector<128x512xf32>, vector<1000x512xf32> -> vector<1000x512xf32>
    %add3A_693 = arith.addf %dot_general3A_690, %dot_general3A_692 : vector<1000x512xf32>
    %add3A_694 = vector.broadcast %get3A_12 : vector<1x512xf32> to vector<1000x512xf32>
    %add3A_695 = arith.addf %add3A_693, %add3A_694 : vector<1000x512xf32>
    %slice3A_696 = vector.extract_strided_slice %add3A_695 {offsets = [0, 0], sizes = [1000, 128], strides = [1, 1]} : vector<1000x512xf32> to vector<1000x128xf32>
    %mul3A_697 = arith.constant 5.000000e-01 : f32
    %mul3A_698 = vector.broadcast %mul3A_697 : f32 to vector<1000x128xf32>
    %mul3A_699 = arith.mulf %mul3A_698, %slice3A_696 : vector<1000x128xf32>
    %tanh3A_700 = math.tanh %mul3A_699 : vector<1000x128xf32>
    %mul3A_701 = arith.constant 5.000000e-01 : f32
    %mul3A_702 = vector.broadcast %mul3A_701 : f32 to vector<1000x128xf32>
    %mul3A_703 = arith.mulf %mul3A_702, %tanh3A_700 : vector<1000x128xf32>
    %add3A_704 = arith.constant 5.000000e-01 : f32
    %add3A_705 = vector.broadcast %add3A_704 : f32 to vector<1000x128xf32>
    %add3A_706 = arith.addf %mul3A_703, %add3A_705 : vector<1000x128xf32>
    %slice3A_707 = vector.extract_strided_slice %add3A_695 {offsets = [0, 128], sizes = [1000, 128], strides = [1, 1]} : vector<1000x512xf32> to vector<1000x128xf32>
    %mul3A_708 = arith.constant 5.000000e-01 : f32
    %mul3A_709 = vector.broadcast %mul3A_708 : f32 to vector<1000x128xf32>
    %mul3A_710 = arith.mulf %mul3A_709, %slice3A_707 : vector<1000x128xf32>
    %tanh3A_711 = math.tanh %mul3A_710 : vector<1000x128xf32>
    %mul3A_712 = arith.constant 5.000000e-01 : f32
    %mul3A_713 = vector.broadcast %mul3A_712 : f32 to vector<1000x128xf32>
    %mul3A_714 = arith.mulf %mul3A_713, %tanh3A_711 : vector<1000x128xf32>
    %add3A_715 = arith.constant 5.000000e-01 : f32
    %add3A_716 = vector.broadcast %add3A_715 : f32 to vector<1000x128xf32>
    %add3A_717 = arith.addf %mul3A_714, %add3A_716 : vector<1000x128xf32>
    %slice3A_718 = vector.extract_strided_slice %add3A_695 {offsets = [0, 256], sizes = [1000, 128], strides = [1, 1]} : vector<1000x512xf32> to vector<1000x128xf32>
    %tanh3A_719 = math.tanh %slice3A_718 : vector<1000x128xf32>
    %slice3A_720 = vector.extract_strided_slice %add3A_695 {offsets = [0, 384], sizes = [1000, 128], strides = [1, 1]} : vector<1000x512xf32> to vector<1000x128xf32>
    %mul3A_721 = arith.constant 5.000000e-01 : f32
    %mul3A_722 = vector.broadcast %mul3A_721 : f32 to vector<1000x128xf32>
    %mul3A_723 = arith.mulf %mul3A_722, %slice3A_720 : vector<1000x128xf32>
    %tanh3A_724 = math.tanh %mul3A_723 : vector<1000x128xf32>
    %mul3A_725 = arith.constant 5.000000e-01 : f32
    %mul3A_726 = vector.broadcast %mul3A_725 : f32 to vector<1000x128xf32>
    %mul3A_727 = arith.mulf %mul3A_726, %tanh3A_724 : vector<1000x128xf32>
    %add3A_728 = arith.constant 5.000000e-01 : f32
    %add3A_729 = vector.broadcast %add3A_728 : f32 to vector<1000x128xf32>
    %add3A_730 = arith.addf %mul3A_727, %add3A_729 : vector<1000x128xf32>
    %mul3A_731 = arith.mulf %add3A_717, %add3A_681 : vector<1000x128xf32>
    %mul3A_732 = arith.mulf %add3A_706, %tanh3A_719 : vector<1000x128xf32>
    %add3A_733 = arith.addf %mul3A_731, %mul3A_732 : vector<1000x128xf32>
    %tanh3A_734 = math.tanh %add3A_733 : vector<1000x128xf32>
    %mul3A_735 = arith.mulf %add3A_730, %tanh3A_734 : vector<1000x128xf32>
    %get3A_736 = arith.constant 14 : index
    %get3A_737 = arith.constant 0 : index
    %get3A_738 = arith.constant 0 : index
    %get3A_739 = vector.load %arg3[%get3A_736, %get3A_737, %get3A_738] : memref<16x256x512xf32, #tpu.memory_space<vmem>>, vector<1x256x512xf32>
    %get3A_740 = vector.shape_cast %get3A_739 : vector<1x256x512xf32> to vector<256x512xf32>
    %dot_general3A_741 = arith.constant dense<0.000000e+00> : vector<1000x512xf32>
    %dot_general3A_742 = tpu.matmul %get3A_3, %get3A_740, %dot_general3A_741 {dimension_numbers = #tpu.dot_dimension_numbers<[1], [0], [0], [1], [0, 0, 1, 1], [], []>, transpose_lhs_hint = false} : vector<1000x256xf32>, vector<256x512xf32>, vector<1000x512xf32> -> vector<1000x512xf32>
    %dot_general3A_743 = arith.constant dense<0.000000e+00> : vector<1000x512xf32>
    %dot_general3A_744 = tpu.matmul %mul3A_735, %get3A_9, %dot_general3A_743 {dimension_numbers = #tpu.dot_dimension_numbers<[1], [0], [0], [1], [0, 0, 1, 1], [], []>, transpose_lhs_hint = false} : vector<1000x128xf32>, vector<128x512xf32>, vector<1000x512xf32> -> vector<1000x512xf32>
    %add3A_745 = arith.addf %dot_general3A_742, %dot_general3A_744 : vector<1000x512xf32>
    %add3A_746 = vector.broadcast %get3A_12 : vector<1x512xf32> to vector<1000x512xf32>
    %add3A_747 = arith.addf %add3A_745, %add3A_746 : vector<1000x512xf32>
    %slice3A_748 = vector.extract_strided_slice %add3A_747 {offsets = [0, 0], sizes = [1000, 128], strides = [1, 1]} : vector<1000x512xf32> to vector<1000x128xf32>
    %mul3A_749 = arith.constant 5.000000e-01 : f32
    %mul3A_750 = vector.broadcast %mul3A_749 : f32 to vector<1000x128xf32>
    %mul3A_751 = arith.mulf %mul3A_750, %slice3A_748 : vector<1000x128xf32>
    %tanh3A_752 = math.tanh %mul3A_751 : vector<1000x128xf32>
    %mul3A_753 = arith.constant 5.000000e-01 : f32
    %mul3A_754 = vector.broadcast %mul3A_753 : f32 to vector<1000x128xf32>
    %mul3A_755 = arith.mulf %mul3A_754, %tanh3A_752 : vector<1000x128xf32>
    %add3A_756 = arith.constant 5.000000e-01 : f32
    %add3A_757 = vector.broadcast %add3A_756 : f32 to vector<1000x128xf32>
    %add3A_758 = arith.addf %mul3A_755, %add3A_757 : vector<1000x128xf32>
    %slice3A_759 = vector.extract_strided_slice %add3A_747 {offsets = [0, 128], sizes = [1000, 128], strides = [1, 1]} : vector<1000x512xf32> to vector<1000x128xf32>
    %mul3A_760 = arith.constant 5.000000e-01 : f32
    %mul3A_761 = vector.broadcast %mul3A_760 : f32 to vector<1000x128xf32>
    %mul3A_762 = arith.mulf %mul3A_761, %slice3A_759 : vector<1000x128xf32>
    %tanh3A_763 = math.tanh %mul3A_762 : vector<1000x128xf32>
    %mul3A_764 = arith.constant 5.000000e-01 : f32
    %mul3A_765 = vector.broadcast %mul3A_764 : f32 to vector<1000x128xf32>
    %mul3A_766 = arith.mulf %mul3A_765, %tanh3A_763 : vector<1000x128xf32>
    %add3A_767 = arith.constant 5.000000e-01 : f32
    %add3A_768 = vector.broadcast %add3A_767 : f32 to vector<1000x128xf32>
    %add3A_769 = arith.addf %mul3A_766, %add3A_768 : vector<1000x128xf32>
    %slice3A_770 = vector.extract_strided_slice %add3A_747 {offsets = [0, 256], sizes = [1000, 128], strides = [1, 1]} : vector<1000x512xf32> to vector<1000x128xf32>
    %tanh3A_771 = math.tanh %slice3A_770 : vector<1000x128xf32>
    %slice3A_772 = vector.extract_strided_slice %add3A_747 {offsets = [0, 384], sizes = [1000, 128], strides = [1, 1]} : vector<1000x512xf32> to vector<1000x128xf32>
    %mul3A_773 = arith.constant 5.000000e-01 : f32
    %mul3A_774 = vector.broadcast %mul3A_773 : f32 to vector<1000x128xf32>
    %mul3A_775 = arith.mulf %mul3A_774, %slice3A_772 : vector<1000x128xf32>
    %tanh3A_776 = math.tanh %mul3A_775 : vector<1000x128xf32>
    %mul3A_777 = arith.constant 5.000000e-01 : f32
    %mul3A_778 = vector.broadcast %mul3A_777 : f32 to vector<1000x128xf32>
    %mul3A_779 = arith.mulf %mul3A_778, %tanh3A_776 : vector<1000x128xf32>
    %add3A_780 = arith.constant 5.000000e-01 : f32
    %add3A_781 = vector.broadcast %add3A_780 : f32 to vector<1000x128xf32>
    %add3A_782 = arith.addf %mul3A_779, %add3A_781 : vector<1000x128xf32>
    %mul3A_783 = arith.mulf %add3A_769, %add3A_733 : vector<1000x128xf32>
    %mul3A_784 = arith.mulf %add3A_758, %tanh3A_771 : vector<1000x128xf32>
    %add3A_785 = arith.addf %mul3A_783, %mul3A_784 : vector<1000x128xf32>
    %tanh3A_786 = math.tanh %add3A_785 : vector<1000x128xf32>
    %mul3A_787 = arith.mulf %add3A_782, %tanh3A_786 : vector<1000x128xf32>
    %get3A_788 = arith.constant 15 : index
    %get3A_789 = arith.constant 0 : index
    %get3A_790 = arith.constant 0 : index
    %get3A_791 = vector.load %arg3[%get3A_788, %get3A_789, %get3A_790] : memref<16x256x512xf32, #tpu.memory_space<vmem>>, vector<1x256x512xf32>
    %get3A_792 = vector.shape_cast %get3A_791 : vector<1x256x512xf32> to vector<256x512xf32>
    %dot_general3A_793 = arith.constant dense<0.000000e+00> : vector<1000x512xf32>
    %dot_general3A_794 = tpu.matmul %get3A_3, %get3A_792, %dot_general3A_793 {dimension_numbers = #tpu.dot_dimension_numbers<[1], [0], [0], [1], [0, 0, 1, 1], [], []>, transpose_lhs_hint = false} : vector<1000x256xf32>, vector<256x512xf32>, vector<1000x512xf32> -> vector<1000x512xf32>
    %dot_general3A_795 = arith.constant dense<0.000000e+00> : vector<1000x512xf32>
    %dot_general3A_796 = tpu.matmul %mul3A_787, %get3A_9, %dot_general3A_795 {dimension_numbers = #tpu.dot_dimension_numbers<[1], [0], [0], [1], [0, 0, 1, 1], [], []>, transpose_lhs_hint = false} : vector<1000x128xf32>, vector<128x512xf32>, vector<1000x512xf32> -> vector<1000x512xf32>
    %add3A_797 = arith.addf %dot_general3A_794, %dot_general3A_796 : vector<1000x512xf32>
    %add3A_798 = vector.broadcast %get3A_12 : vector<1x512xf32> to vector<1000x512xf32>
    %add3A_799 = arith.addf %add3A_797, %add3A_798 : vector<1000x512xf32>
    %slice3A_800 = vector.extract_strided_slice %add3A_799 {offsets = [0, 0], sizes = [1000, 128], strides = [1, 1]} : vector<1000x512xf32> to vector<1000x128xf32>
    %mul3A_801 = arith.constant 5.000000e-01 : f32
    %mul3A_802 = vector.broadcast %mul3A_801 : f32 to vector<1000x128xf32>
    %mul3A_803 = arith.mulf %mul3A_802, %slice3A_800 : vector<1000x128xf32>
    %tanh3A_804 = math.tanh %mul3A_803 : vector<1000x128xf32>
    %mul3A_805 = arith.constant 5.000000e-01 : f32
    %mul3A_806 = vector.broadcast %mul3A_805 : f32 to vector<1000x128xf32>
    %mul3A_807 = arith.mulf %mul3A_806, %tanh3A_804 : vector<1000x128xf32>
    %add3A_808 = arith.constant 5.000000e-01 : f32
    %add3A_809 = vector.broadcast %add3A_808 : f32 to vector<1000x128xf32>
    %add3A_810 = arith.addf %mul3A_807, %add3A_809 : vector<1000x128xf32>
    %slice3A_811 = vector.extract_strided_slice %add3A_799 {offsets = [0, 128], sizes = [1000, 128], strides = [1, 1]} : vector<1000x512xf32> to vector<1000x128xf32>
    %mul3A_812 = arith.constant 5.000000e-01 : f32
    %mul3A_813 = vector.broadcast %mul3A_812 : f32 to vector<1000x128xf32>
    %mul3A_814 = arith.mulf %mul3A_813, %slice3A_811 : vector<1000x128xf32>
    %tanh3A_815 = math.tanh %mul3A_814 : vector<1000x128xf32>
    %mul3A_816 = arith.constant 5.000000e-01 : f32
    %mul3A_817 = vector.broadcast %mul3A_816 : f32 to vector<1000x128xf32>
    %mul3A_818 = arith.mulf %mul3A_817, %tanh3A_815 : vector<1000x128xf32>
    %add3A_819 = arith.constant 5.000000e-01 : f32
    %add3A_820 = vector.broadcast %add3A_819 : f32 to vector<1000x128xf32>
    %add3A_821 = arith.addf %mul3A_818, %add3A_820 : vector<1000x128xf32>
    %slice3A_822 = vector.extract_strided_slice %add3A_799 {offsets = [0, 256], sizes = [1000, 128], strides = [1, 1]} : vector<1000x512xf32> to vector<1000x128xf32>
    %tanh3A_823 = math.tanh %slice3A_822 : vector<1000x128xf32>
    %slice3A_824 = vector.extract_strided_slice %add3A_799 {offsets = [0, 384], sizes = [1000, 128], strides = [1, 1]} : vector<1000x512xf32> to vector<1000x128xf32>
    %mul3A_825 = arith.constant 5.000000e-01 : f32
    %mul3A_826 = vector.broadcast %mul3A_825 : f32 to vector<1000x128xf32>
    %mul3A_827 = arith.mulf %mul3A_826, %slice3A_824 : vector<1000x128xf32>
    %tanh3A_828 = math.tanh %mul3A_827 : vector<1000x128xf32>
    %mul3A_829 = arith.constant 5.000000e-01 : f32
    %mul3A_830 = vector.broadcast %mul3A_829 : f32 to vector<1000x128xf32>
    %mul3A_831 = arith.mulf %mul3A_830, %tanh3A_828 : vector<1000x128xf32>
    %add3A_832 = arith.constant 5.000000e-01 : f32
    %add3A_833 = vector.broadcast %add3A_832 : f32 to vector<1000x128xf32>
    %add3A_834 = arith.addf %mul3A_831, %add3A_833 : vector<1000x128xf32>
    %mul3A_835 = arith.mulf %add3A_821, %add3A_785 : vector<1000x128xf32>
    %mul3A_836 = arith.mulf %add3A_810, %tanh3A_823 : vector<1000x128xf32>
    %add3A_837 = arith.addf %mul3A_835, %mul3A_836 : vector<1000x128xf32>
    %tanh3A_838 = math.tanh %add3A_837 : vector<1000x128xf32>
    %mul3A_839 = arith.mulf %add3A_834, %tanh3A_838 : vector<1000x128xf32>
    %get3A_840 = arith.constant 0 : index
    %get3A_841 = arith.constant 0 : index
    %get3A_842 = vector.load %arg6[%get3A_840, %get3A_841] : memref<128x128xf32, #tpu.memory_space<vmem>>, vector<128x128xf32>
    %dot_general3A_843 = arith.constant dense<0.000000e+00> : vector<1000x128xf32>
    %dot_general3A_844 = tpu.matmul %mul3A_839, %get3A_842, %dot_general3A_843 {dimension_numbers = #tpu.dot_dimension_numbers<[1], [0], [0], [1], [0, 0, 1, 1], [], []>, transpose_lhs_hint = false} : vector<1000x128xf32>, vector<128x128xf32>, vector<1000x128xf32> -> vector<1000x128xf32>
    %sub3A = arith.subf %mul3A_839, %dot_general3A_844 : vector<1000x128xf32>
    %mul3A_845 = arith.mulf %sub3A, %sub3A : vector<1000x128xf32>
    %get3A_846 = arith.constant 0 : index
    %get3A_847 = arith.constant 0 : index
    %get3A_848 = vector.load %arg6[%get3A_846, %get3A_847] : memref<128x128xf32, #tpu.memory_space<vmem>>, vector<128x128xf32>
    %dot_general3A_849 = arith.constant dense<0.000000e+00> : vector<1000x128xf32>
    %dot_general3A_850 = tpu.matmul %mul3A_845, %get3A_848, %dot_general3A_849 {dimension_numbers = #tpu.dot_dimension_numbers<[1], [0], [0], [1], [0, 0, 1, 1], [], []>, transpose_lhs_hint = false} : vector<1000x128xf32>, vector<128x128xf32>, vector<1000x128xf32> -> vector<1000x128xf32>
    %add3A_851 = arith.constant 9.99999974E-6 : f32
    %add3A_852 = vector.broadcast %add3A_851 : f32 to vector<1000x128xf32>
    %add3A_853 = arith.addf %dot_general3A_850, %add3A_852 : vector<1000x128xf32>
    %rsqrt3A = math.rsqrt %add3A_853 : vector<1000x128xf32>
    %mul3A_854 = arith.mulf %sub3A, %rsqrt3A : vector<1000x128xf32>
    %get3A_855 = arith.constant 0 : index
    %get3A_856 = arith.constant 0 : index
    %get3A_857 = vector.load %arg7[%get3A_855, %get3A_856] : memref<1x128xf32, #tpu.memory_space<vmem>>, vector<1x128xf32>
    %mul3A_858 = vector.broadcast %get3A_857 : vector<1x128xf32> to vector<1000x128xf32>
    %mul3A_859 = arith.mulf %mul3A_854, %mul3A_858 : vector<1000x128xf32>
    %get3A_860 = arith.constant 0 : index
    %get3A_861 = arith.constant 0 : index
    %get3A_862 = vector.load %arg8[%get3A_860, %get3A_861] : memref<1x128xf32, #tpu.memory_space<vmem>>, vector<1x128xf32>
    %add3A_863 = vector.broadcast %get3A_862 : vector<1x128xf32> to vector<1000x128xf32>
    %add3A_864 = arith.addf %mul3A_859, %add3A_863 : vector<1000x128xf32>
    %get3A_865 = arith.constant 0 : index
    %get3A_866 = arith.constant 0 : index
    %get3A_867 = vector.load %arg9[%get3A_865, %get3A_866] : memref<128x64xf32, #tpu.memory_space<vmem>>, vector<128x64xf32>
    %dot_general3A_868 = arith.constant dense<0.000000e+00> : vector<1000x64xf32>
    %dot_general3A_869 = tpu.matmul %add3A_864, %get3A_867, %dot_general3A_868 {dimension_numbers = #tpu.dot_dimension_numbers<[1], [0], [0], [1], [0, 0, 1, 1], [], []>, transpose_lhs_hint = false} : vector<1000x128xf32>, vector<128x64xf32>, vector<1000x64xf32> -> vector<1000x64xf32>
    %swap3A = arith.constant 0 : index
    %swap3A_870 = arith.constant 0 : index
    %swap3A_871 = arith.constant 0 : index
    %swap3A_872 = vector.load %arg12[%swap3A, %swap3A_870, %swap3A_871] : memref<1x1000x64xf32, #tpu.memory_space<vmem>>, vector<1x1000x64xf32>
    %swap3A_873 = vector.shape_cast %swap3A_872 : vector<1x1000x64xf32> to vector<1000x64xf32>
    %swap3A_874 = vector.shape_cast %dot_general3A_869 : vector<1000x64xf32> to vector<1x1000x64xf32>
    tpu.vector_store %arg12[%swap3A, %swap3A_870, %swap3A_871], %swap3A_874 {strides = array<i32>} : memref<1x1000x64xf32, #tpu.memory_space<vmem>>, vector<1x1000x64xf32>,
    %get3A_875 = arith.constant 0 : index
    %get3A_876 = arith.constant 0 : index
    %get3A_877 = vector.load %arg10[%get3A_875, %get3A_876] : memref<128x64xf32, #tpu.memory_space<vmem>>, vector<128x64xf32>
    %dot_general3A_878 = arith.constant dense<0.000000e+00> : vector<1000x64xf32>
    %dot_general3A_879 = tpu.matmul %add3A_864, %get3A_877, %dot_general3A_878 {dimension_numbers = #tpu.dot_dimension_numbers<[1], [0], [0], [1], [0, 0, 1, 1], [], []>, transpose_lhs_hint = false} : vector<1000x128xf32>, vector<128x64xf32>, vector<1000x64xf32> -> vector<1000x64xf32>
    %get3A_880 = arith.constant 0 : index
    %get3A_881 = arith.constant 0 : index
    %get3A_882 = vector.load %arg11[%get3A_880, %get3A_881] : memref<1x64xf32, #tpu.memory_space<vmem>>, vector<1x64xf32>
    %add3A_883 = vector.broadcast %get3A_882 : vector<1x64xf32> to vector<1000x64xf32>
    %add3A_884 = arith.addf %dot_general3A_879, %add3A_883 : vector<1000x64xf32>
    %swap3A_885 = arith.constant 0 : index
    %swap3A_886 = arith.constant 0 : index
    %swap3A_887 = arith.constant 0 : index
    %swap3A_888 = vector.load %arg13[%swap3A_885, %swap3A_886, %swap3A_887] : memref<1x1000x64xf32, #tpu.memory_space<vmem>>, vector<1x1000x64xf32>
    %swap3A_889 = vector.shape_cast %swap3A_888 : vector<1x1000x64xf32> to vector<1000x64xf32>
    %swap3A_890 = vector.shape_cast %add3A_884 : vector<1000x64xf32> to vector<1x1000x64xf32>
    tpu.vector_store %arg13[%swap3A_885, %swap3A_886, %swap3A_887], %swap3A_890 {strides = array<i32>} : memref<1x1000x64xf32, #tpu.memory_space<vmem>>, vector<1x1000x64xf32>,
    return
  }
  func.func @transform_0(%arg0: i32, %arg1: i32) -> (i32, i32, i32) {
    %c0_i32 = arith.constant 0 : i32
    %c0_i32_0 = arith.constant 0 : i32
    return %arg0, %arg1, %c0_i32 : i32, i32, i32
  }
  func.func @transform_1(%arg0: i32, %arg1: i32) -> (i32, i32, i32) {
    %c0_i32 = arith.constant 0 : i32
    %c0_i32_0 = arith.constant 0 : i32
    %c0_i32_1 = arith.constant 0 : i32
    %c0_i32_2 = arith.constant 0 : i32
    return %c0_i32, %c0_i32_0, %c0_i32_1 : i32, i32, i32
  }
  func.func @transform_2(%arg0: i32, %arg1: i32) -> (i32, i32) {
    %c0_i32 = arith.constant 0 : i32
    %c0_i32_0 = arith.constant 0 : i32
    %c0_i32_1 = arith.constant 0 : i32
    return %c0_i32, %c0_i32_0 : i32, i32
  }
  func.func @transform_3(%arg0: i32, %arg1: i32) -> (i32, i32) {
    %c0_i32 = arith.constant 0 : i32
    %c0_i32_0 = arith.constant 0 : i32
    %c0_i32_1 = arith.constant 0 : i32
    return %c0_i32, %c0_i32_0 : i32, i32
  }
  func.func @transform_4(%arg0: i32, %arg1: i32) -> (i32, i32) {
    %c0_i32 = arith.constant 0 : i32
    %c0_i32_0 = arith.constant 0 : i32
    %c0_i32_1 = arith.constant 0 : i32
    return %c0_i32, %c0_i32_0 : i32, i32
  }
  func.func @transform_5(%arg0: i32, %arg1: i32) -> (i32, i32) {
    %c0_i32 = arith.constant 0 : i32
    %c0_i32_0 = arith.constant 0 : i32
    %c0_i32_1 = arith.constant 0 : i32
    return %c0_i32, %c0_i32_0 : i32, i32
  }
  func.func @transform_6(%arg0: i32, %arg1: i32) -> (i32, i32) {
    %c0_i32 = arith.constant 0 : i32
    %c0_i32_0 = arith.constant 0 : i32
    %c0_i32_1 = arith.constant 0 : i32
    return %c0_i32, %c0_i32_0 : i32, i32
  }
  func.func @transform_7(%arg0: i32, %arg1: i32) -> (i32, i32) {
    %c0_i32 = arith.constant 0 : i32
    %c0_i32_0 = arith.constant 0 : i32
    %c0_i32_1 = arith.constant 0 : i32
    return %c0_i32, %c0_i32_0 : i32, i32
  }
  func.func @transform_8(%arg0: i32, %arg1: i32) -> (i32, i32) {
    %c0_i32 = arith.constant 0 : i32
    %c0_i32_0 = arith.constant 0 : i32
    %c0_i32_1 = arith.constant 0 : i32
    return %c0_i32, %c0_i32_0 : i32, i32
  }
  func.func @transform_9(%arg0: i32, %arg1: i32) -> (i32, i32) {
    %c0_i32 = arith.constant 0 : i32
    %c0_i32_0 = arith.constant 0 : i32
    %c0_i32_1 = arith.constant 0 : i32
    return %c0_i32, %c0_i32_0 : i32, i32
  }
  func.func @transform_10(%arg0: i32, %arg1: i32) -> (i32, i32, i32) {
    %c0_i32 = arith.constant 0 : i32
    %c0_i32_0 = arith.constant 0 : i32
    return %arg0, %arg1, %c0_i32 : i32, i32, i32
  }
  func.func @transform_11(%arg0: i32, %arg1: i32) -> (i32, i32, i32) {
    %c0_i32 = arith.constant 0 : i32
    %c0_i32_0 = arith.constant 0 : i32
    return %arg0, %arg1, %c0_i32 : i32, i32, i32
  }
}

module attributes {stable_mosaic.version = 14 : i64} {
  func.func @_repack_body(%arg0: i32, %arg1: memref<1000x2x64xf32, #tpu.memory_space<vmem>>, %arg2: memref<1000x128xf32, #tpu.memory_space<vmem>>) attributes {dimension_semantics = [#tpu.dimension_semantics<arbitrary>], iteration_bounds = array<i64: 25>, scalar_prefetch = 0 : i64, scratch_operands = 0 : i64, tpu.core_type = #tpu.core_type<tc>, window_params = [{transform_indices = @transform_0, window_bounds = array<i64: 1000, 2, 64>}, {transform_indices = @transform_1, window_bounds = array<i64: 1000, 128>}]} {
    %get3A = arith.constant 0 : index
    %get3A_0 = arith.constant 0 : index
    %get3A_1 = arith.constant 0 : index
    %get3A_2 = vector.load %arg1[%get3A, %get3A_0, %get3A_1] : memref<1000x2x64xf32, #tpu.memory_space<vmem>>, vector<1000x2x64xf32>
    %slice3A = vector.extract_strided_slice %get3A_2 {offsets = [0, 0, 0], sizes = [1000, 1, 64], strides = [1, 1, 1]} : vector<1000x2x64xf32> to vector<1000x1x64xf32>
    %squeeze3A = vector.shape_cast %slice3A : vector<1000x1x64xf32> to vector<1000x64xf32>
    %slice3A_3 = vector.extract_strided_slice %get3A_2 {offsets = [0, 1, 0], sizes = [1000, 1, 64], strides = [1, 1, 1]} : vector<1000x2x64xf32> to vector<1000x1x64xf32>
    %squeeze3A_4 = vector.shape_cast %slice3A_3 : vector<1000x1x64xf32> to vector<1000x64xf32>
    %concatenate3A = tpu.concatenate %squeeze3A, %squeeze3A_4 in 1 : vector<1000x64xf32>, vector<1000x64xf32> -> vector<1000x128xf32>
    %swap3A = arith.constant 0 : index
    %swap3A_5 = arith.constant 0 : index
    %swap3A_6 = vector.load %arg2[%swap3A, %swap3A_5] : memref<1000x128xf32, #tpu.memory_space<vmem>>, vector<1000x128xf32>
    tpu.vector_store %arg2[%swap3A, %swap3A_5], %concatenate3A {strides = array<i32>} : memref<1000x128xf32, #tpu.memory_space<vmem>>, vector<1000x128xf32>,
    return
  }
  func.func @transform_0(%arg0: i32) -> (i32, i32, i32) {
    %c0_i32 = arith.constant 0 : i32
    %c0_i32_0 = arith.constant 0 : i32
    %c0_i32_1 = arith.constant 0 : i32
    return %arg0, %c0_i32, %c0_i32_0 : i32, i32, i32
  }
  func.func @transform_1(%arg0: i32) -> (i32, i32) {
    %c0_i32 = arith.constant 0 : i32
    %c0_i32_0 = arith.constant 0 : i32
    return %arg0, %c0_i32 : i32, i32
  }
}

module attributes {stable_mosaic.version = 14 : i64} {
  func.func @_readout_body(%arg0: i32, %arg1: i32, %arg2: memref<1x2000x32xf32, #tpu.memory_space<vmem>>, %arg3: memref<1x2000x32xf32, #tpu.memory_space<vmem>>, %arg4: memref<1x32xf32, #tpu.memory_space<vmem>>, %arg5: memref<1x1xf32, #tpu.memory_space<vmem>>, %arg6: memref<1x2000x1xf32, #tpu.memory_space<vmem>>) attributes {dimension_semantics = [#tpu.dimension_semantics<arbitrary>, #tpu.dimension_semantics<arbitrary>], iteration_bounds = array<i64: 2, 25>, scalar_prefetch = 0 : i64, scratch_operands = 0 : i64, tpu.core_type = #tpu.core_type<tc>, window_params = [{transform_indices = @transform_0, window_bounds = array<i64: 1, 2000, 32>}, {transform_indices = @transform_1, window_bounds = array<i64: 1, 2000, 32>}, {pipeline_mode = #tpu.pipeline_mode<synchronous>, transform_indices = @transform_2, window_bounds = array<i64: 1, 32>}, {pipeline_mode = #tpu.pipeline_mode<synchronous>, transform_indices = @transform_3, window_bounds = array<i64: 1, 1>}, {transform_indices = @transform_4, window_bounds = array<i64: 1, 2000, 1>}]} {
    %get3A = arith.constant 0 : index
    %get3A_0 = arith.constant 0 : index
    %get3A_1 = arith.constant 0 : index
    %get3A_2 = vector.load %arg2[%get3A, %get3A_0, %get3A_1] : memref<1x2000x32xf32, #tpu.memory_space<vmem>>, vector<1x2000x32xf32>
    %get3A_3 = vector.shape_cast %get3A_2 : vector<1x2000x32xf32> to vector<2000x32xf32>
    %get3A_4 = arith.constant 0 : index
    %get3A_5 = arith.constant 0 : index
    %get3A_6 = arith.constant 0 : index
    %get3A_7 = vector.load %arg3[%get3A_4, %get3A_5, %get3A_6] : memref<1x2000x32xf32, #tpu.memory_space<vmem>>, vector<1x2000x32xf32>
    %get3A_8 = vector.shape_cast %get3A_7 : vector<1x2000x32xf32> to vector<2000x32xf32>
    %add3A = arith.addf %get3A_3, %get3A_8 : vector<2000x32xf32>
    %max3A = arith.constant 0.000000e+00 : f32
    %max3A_9 = vector.broadcast %max3A : f32 to vector<2000x32xf32>
    %max3A_10 = arith.maximumf %add3A, %max3A_9 : vector<2000x32xf32>
    %get3A_11 = arith.constant 0 : index
    %get3A_12 = arith.constant 0 : index
    %get3A_13 = vector.load %arg4[%get3A_11, %get3A_12] : memref<1x32xf32, #tpu.memory_space<vmem>>, vector<1x32xf32>
    %mul3A = vector.broadcast %get3A_13 : vector<1x32xf32> to vector<2000x32xf32>
    %mul3A_14 = arith.mulf %max3A_10, %mul3A : vector<2000x32xf32>
    %reduce_sum3A = arith.constant dense<0.000000e+00> : vector<2000xf32>
    %reduce_sum3A_15 = vector.multi_reduction <add>, %mul3A_14, %reduce_sum3A [1] : vector<2000x32xf32> to vector<2000xf32>
    %broadcast_in_dim3A = vector.shape_cast %reduce_sum3A_15 : vector<2000xf32> to vector<2000x1xf32>
    %get3A_16 = arith.constant 0 : index
    %get3A_17 = arith.constant 0 : index
    %get3A_18 = vector.load %arg5[%get3A_16, %get3A_17] : memref<1x1xf32, #tpu.memory_space<vmem>>, vector<1x1xf32>
    %get3A_19 = vector.extract %get3A_18[0, 0] : f32 from vector<1x1xf32>
    %add3A_20 = vector.broadcast %get3A_19 : f32 to vector<2000x1xf32>
    %add3A_21 = arith.addf %broadcast_in_dim3A, %add3A_20 : vector<2000x1xf32>
    %swap3A = arith.constant 0 : index
    %swap3A_22 = arith.constant 0 : index
    %swap3A_23 = arith.constant 0 : index
    %swap3A_24 = vector.load %arg6[%swap3A, %swap3A_22, %swap3A_23] : memref<1x2000x1xf32, #tpu.memory_space<vmem>>, vector<1x2000x1xf32>
    %swap3A_25 = vector.shape_cast %swap3A_24 : vector<1x2000x1xf32> to vector<2000x1xf32>
    %swap3A_26 = vector.shape_cast %add3A_21 : vector<2000x1xf32> to vector<1x2000x1xf32>
    tpu.vector_store %arg6[%swap3A, %swap3A_22, %swap3A_23], %swap3A_26 {strides = array<i32>} : memref<1x2000x1xf32, #tpu.memory_space<vmem>>, vector<1x2000x1xf32>,
    return
  }
  func.func @transform_0(%arg0: i32, %arg1: i32) -> (i32, i32, i32) {
    %c0_i32 = arith.constant 0 : i32
    %c0_i32_0 = arith.constant 0 : i32
    return %arg0, %arg1, %c0_i32 : i32, i32, i32
  }
  func.func @transform_1(%arg0: i32, %arg1: i32) -> (i32, i32, i32) {
    %c0_i32 = arith.constant 0 : i32
    %c0_i32_0 = arith.constant 0 : i32
    return %arg0, %arg1, %c0_i32 : i32, i32, i32
  }
  func.func @transform_2(%arg0: i32, %arg1: i32) -> (i32, i32) {
    %c0_i32 = arith.constant 0 : i32
    %c0_i32_0 = arith.constant 0 : i32
    %c0_i32_1 = arith.constant 0 : i32
    return %c0_i32, %c0_i32_0 : i32, i32
  }
  func.func @transform_3(%arg0: i32, %arg1: i32) -> (i32, i32) {
    %c0_i32 = arith.constant 0 : i32
    %c0_i32_0 = arith.constant 0 : i32
    %c0_i32_1 = arith.constant 0 : i32
    return %c0_i32, %c0_i32_0 : i32, i32
  }
  func.func @transform_4(%arg0: i32, %arg1: i32) -> (i32, i32, i32) {
    %c0_i32 = arith.constant 0 : i32
    %c0_i32_0 = arith.constant 0 : i32
    return %arg0, %arg1, %c0_i32 : i32, i32, i32
  }
}

</mosaic_0001>

<sc_bundles>
// kernel: kernel.6.cloned.1.call-start
scs
__scs_entry_jumppad:
0x0: {  	(pc) =	sbr.rel $0x88, $3  }
0x1: {  	(tag) =	ssettag $0x0;
	lr =	simm.s32 $0x1  }
0x2: {  	[smem:$0x3F93] =	sst lr;
	_ =	strace $0xD0000000  }
0x3: {  	_ = 	snop  }
0x4: {  	_ = 	snop  }
0x5: {  	_ = 	snop  }
0x6: {  	_ = 	snop  }
0x7: {  	_ = 	snop  }
__scs_overlays_trampoline_lowered:
0x8: {  	[smem:$0x3FA2] =	sst s0  }
0x9: {  	[smem:$0x3FA3] =	sst s1  }
0xa: {  	[smem:$0x3FA4] =	sst s2  }
0xb: {  	[smem:$0x3FA5] =	sst s3  }
0xc: {  	[smem:$0x3FA6] =	sst s4  }
0xd: {  	[smem:$0x3FA7] =	sst s5  }
0xe: {  	[smem:$0x3FA8] =	sst s6  }
0xf: {  	[smem:$0x3FA9] =	sst s7  }
0x10: {  	[smem:$0x3FAA] =	sst s8  }
0x11: {  	[smem:$0x3FAB] =	sst s9;
	s0 =	simm.s32 @!p0 $0x0  }
0x12: {  	s1 =	sld [smem:$0x3F91];
	s0 =	simm.s32 @p0 $0x1  }
0x13: {  	[smem:$0x3FAC] =	sst s0;
	s0 =	simm.s32 @!p1 $0x0  }
0x14: {  	s2 =	sld [smem:$0x3F90];
	s0 =	simm.s32 @p1 $0x1  }
0x15: {  	[smem:$0x3FAD] =	sst s0;
	s0 =	simm.s32 @!p2 $0x0  }
0x16: {  	s3 =	sld [smem:$0x3FDB];
	s0 =	simm.s32 @p2 $0x1  }
0x17: {  	s4 =	simm.s32 $0x1BF5;
	[smem:$0x3FAF] =	sst s0  }
0x18: {  	s0 =	sld [smem:$0x3F92];
	_ =	swait.ge [sflag:s4], $0x0  }
0x19: {  	s7 =	sld [smem:$0x3F93]  }
0x1a: {  	s8 =	sadd.s32 $0xFFFFE003, lr  }
0x1b: {  	s9 =	sadd.s32 $0xFFFFFEF7, lr;
	s5 =	simm.s32 $0xFFFFFFFF;
	p2 =	slt.u32 s8, $0xFFFFF086  }
0x1c: {  	p1 =	slt.u32 s9, $0xF7A;
	s5 =	simm.s32 @!p2 $0x0  }
0x1d: {  	s5 =	simm.s32 @p1 $0x1;
	p0 =	seq.s32 s7, s2  }
0x1e: {  	s7 =	smul.u32 @!p0 $0xF7A, s2;
	p2 =	seq.s32 @!p0 s5, $0x0  }
0x1f: {  	s9 =	smul.u32 $0xF7A, s1;
	s8 =	simm.s32 @!p0 $0x1BF5;
	p2 =	por !p2, p0  }
0x20: {  	[sflag:s8] =	ssyncset.s32 @!p0 $0xFFFFF086;
	s6 =	sadd.s32 @!p0 s3, s7;
	s7 =	simm.s32 @!p0 $0x108  }
0x21: {  	s3 =	sadd.s32 s3, s9;
	s6 =	sadd.s32 @!p0 $0x88, s6;
	s7 =	simm.s32 @p2 $0x1082  }
0x22: {  	[simem:s7], [sflag:s8] =	dma.local @!p0 [hbm:s6], $0xF7A  }
0x23: {  	s9 =	sor.u32 $0xD0000000, s2;
	s6 =	simm.s32 $0x108;
	_ =	swait.ge @!p0 [sflag:s8], $0x0  }
0x24: {  	s3 =	sadd.s32 $0x88, s3;
	s6 =	simm.s32 @!p1 $0x1082;
	[sflag:s4] =	ssyncset.s32 $0xFFFFF086  }
0x25: {  	[simem:s6], [sflag:s4] =	dma.local [hbm:s3], $0xF7A  }
0x26: {  	[smem:$0x3F93] =	sst s1;
	(tag) =	ssettag s2;
	_ =	strace s9  }
0x27: {  	s1 =	sld [smem:$0x3FA3]  }
0x28: {  	s2 =	sld [smem:$0x3FA4]  }
0x29: {  	s4 =	sld [smem:$0x3FA6]  }
0x2a: {  	p0 =	seq.s32 s5, $0x0;
	s5 =	sld [smem:$0x3FA7]  }
0x2b: {  	s6 =	sld [smem:$0x3FA8]  }
0x2c: {  	s7 =	sld [smem:$0x3FA9]  }
0x2d: {  	s3 =	simm.s32 $0x108;
	s8 =	sld [smem:$0x3FAA]  }
0x2e: {  	s3 =	simm.s32 @!p0 $0x1082;
	s9 =	sld [smem:$0x3FAB]  }
0x2f: {  	lr =	sadd.s32 s0, s3;
	s0 =	sld [smem:$0x3FA2]  }
0x30: {  	s3 =	sld [smem:$0x3FA5]  }
0x31: {  	[smem:$0x3FAE] =	sst s10  }
0x32: {  	s10 =	sld [smem:$0x3FAC];
	_ =	sdelay $0x3  }
0x33: {  	p0 =	seq.s32 s10, $0x1;
	s10 =	sld [smem:$0x3FAE];
	_ =	sdelay $0x3  }
0x34: {  	[smem:$0x3FAE] =	sst s10  }
0x35: {  	s10 =	sld [smem:$0x3FAD];
	_ =	sdelay $0x3  }
0x36: {  	p1 =	seq.s32 s10, $0x1;
	s10 =	sld [smem:$0x3FAE];
	_ =	sdelay $0x3  }
0x37: {  	[smem:$0x3FAE] =	sst s10  }
0x38: {  	s10 =	sld [smem:$0x3FAF]  }
0x39: {  	_ = 	snop;
	(pc) =	sbr.ind lr, $3  }
0x3a: {  	_ = 	snop  }
0x3b: {  	_ = 	snop  }
0x3c: {  	p2 =	seq.s32 s10, $0x1;
	s10 =	sld [smem:$0x3FAE]  }
0x3d: {  	_ =	shalt  }
0x3e: {  	_ =	shalt  }
0x3f: {  	_ =	shalt  }
0x40: {  	_ =	shalt  }
0x41: {  	_ =	shalt  }
0x42: {  	_ =	shalt  }
0x43: {  	_ =	shalt  }
0x44: {  	_ =	shalt  }
0x45: {  	_ =	shalt  }
0x46: {  	_ =	shalt  }
0x47: {  	_ =	shalt  }
0x48: {  	_ =	shalt  }
0x49: {  	_ =	shalt  }
0x4a: {  	_ =	shalt  }
0x4b: {  	_ =	shalt  }
0x4c: {  	_ =	shalt  }
0x4d: {  	_ =	shalt  }
0x4e: {  	_ =	shalt  }
0x4f: {  	_ =	shalt  }
0x50: {  	_ =	shalt  }
0x51: {  	_ =	shalt  }
0x52: {  	_ =	shalt  }
0x53: {  	_ =	shalt  }
0x54: {  	_ =	shalt  }
0x55: {  	_ =	shalt  }
0x56: {  	_ =	shalt  }
0x57: {  	_ =	shalt  }
0x58: {  	_ =	shalt  }
0x59: {  	_ =	shalt  }
0x5a: {  	_ =	shalt  }
0x5b: {  	_ =	shalt  }
0x5c: {  	_ =	shalt  }
0x5d: {  	_ =	shalt  }
0x5e: {  	_ =	shalt  }
0x5f: {  	_ =	shalt  }
0x60: {  	_ =	shalt  }
0x61: {  	_ =	shalt  }
0x62: {  	_ =	shalt  }
0x63: {  	_ =	shalt  }
0x64: {  	_ =	shalt  }
0x65: {  	_ =	shalt  }
0x66: {  	_ =	shalt  }
0x67: {  	_ =	shalt  }
0x68: {  	_ =	shalt  }
0x69: {  	_ =	shalt  }
0x6a: {  	_ =	shalt  }
0x6b: {  	_ =	shalt  }
0x6c: {  	_ =	shalt  }
0x6d: {  	_ =	shalt  }
0x6e: {  	_ =	shalt  }
0x6f: {  	_ =	shalt  }
0x70: {  	_ =	shalt  }
0x71: {  	_ =	shalt  }
0x72: {  	_ =	shalt  }
0x73: {  	_ =	shalt  }
0x74: {  	_ =	shalt  }
0x75: {  	_ =	shalt  }
0x76: {  	_ =	shalt  }
0x77: {  	_ =	shalt  }
0x78: {  	_ =	shalt  }
0x79: {  	_ =	shalt  }
0x7a: {  	_ =	shalt  }
0x7b: {  	_ =	shalt  }
0x7c: {  	_ =	shalt  }
0x7d: {  	_ =	shalt  }
0x7e: {  	_ =	shalt  }
0x7f: {  	_ =	shalt  }
0x80: {  	_ =	shalt  }
0x81: {  	_ =	shalt  }
0x82: {  	_ =	shalt  }
0x83: {  	_ =	shalt  }
0x84: {  	_ =	shalt  }
0x85: {  	_ =	shalt  }
0x86: {  	_ =	shalt  }
0x87: {  	_ =	shalt  }
.Lfunc_end0:
.L_simem_size_0:
called_computation.1_lowered:
.L_overlay_start_0:
0x88: {  	s2 =	sld [smem:$0x3FD9]  }
0x89: {  	s3 =	sld [smem:$0x3FFE];
	_ =	sdelay $0x1  }
0x8a: {  	s1 =	srdreg.scid  }
0x8b: {  	s0 =	sand.u32 $0x1, s1  }
0x8c: {  	s17 =	sshll.u32 s0, $0xA;
	s2 =	sadd.s32 s3, s2  }
0x8d: {  	s2 =	sadd.s32 s2, s17  }
0x8e: {  	[smem:$0x3FBA] =	sst s2  }
0x8f: {  	_ = 	snop  }
0x90: {  	s2 =	sld [smem:$0x3FD0];
	(tm) =	ssettm $0x1  }
0x91: {  	s18 =	sld [smem:$0x3FFB];
	_ =	sdelay $0x3  }
0x92: {  	_ =	strace s18  }
0x93: {  	s3 =	sld [smem:$0x3FFC];
	_ =	sdelay $0x3  }
0x94: {  	_ =	strace s3  }
0x95: {  	s3 =	sld [smem:$0x3FFD];
	_ =	sdelay $0x3  }
0x96: {  	_ =	strace s3  }
0x97: {  	_ =	strace $0x8FFFFFFF  }
0x98: {  	s19 =	sld [smem:$0x3FDB];
	_ =	sdelay $0x1  }
0x99: {  	s4 =	simm.s32 $_scs_section_size  }
0x9a: {  	s5 =	simm.s32 $_size__tile_overlayer_lowered;
	s6 =	simm.s32 $_tile_overlayer_lowered  }
0x9b: {  	s22 =	simm.s32 $0x1BFF;
	s21 =	sshll.u32 s6, $0x1;
	s3 =	sadd.s32 s4, s19  }
0x9c: {  	s7 =	simm.s32 $0x0;
	s20 =	sshll.u32 s5, $0x1;
	s5 =	sadd.s32 s21, s3  }
0x9d: {  	[timem:s7], [sflag:s22] =	dma.local [hbm:s5], s20  }
0x9e: {  	_ =	swait.ge [sflag:s22], s20  }
0x9f: {  	s4 =	ssub.s32 $0x0, s20;
	[sflag:s22] =	ssyncset.done $0x0  }
0xa0: {  	[sflag:s22] =	ssyncadd.s32 s4;
	_ =	sdelay $0x1  }
0xa1: {  	s23 =	simm.s32 $0x1B8B  }
0xa2: {  	_ =	swait.ge [sflag:s23], $0x1  }
0xa3: {  	[sflag:s23] =	ssyncset.done $0x0  }
0xa4: {  	s25 =	simm.s32 $0x1B8E;
	s24 =	sld [smem:$0x3FFE];
	[sflag:s23] =	ssyncadd.s32 $0xFFFFFFFF  }
0xa5: {  	s26 =	simm.s32 $execute0_lowered;
	[smem:$0x3FD2] =	sst s25  }
0xa6: {  	s5 =	sshll.u32 s26, $0x1;
	_ =	strace $0x80000049;
	[dreg:$0x1] =	wrdreg $0xFFFFFFFF  }
0xa7: {  	s28 =	simm.s32 $_size_execute0_lowered;
	s3 =	sadd.s32 s3, s5;
	[dreg:$0x0] =	wrdreg $0x0  }
0xa8: {  	s5 =	sshll.u32 s28, $0x1;
	[dreg:$0x2] =	wrdreg s3  }
0xa9: {  	[dreg:$0x3] =	wrdreg s5  }
0xaa: {  	[dreg:$0x4] =	wrdreg $0xC0  }
0xab: {  	_ =	task [dreg:s7], $0x5FFFF  }
0xac: {  	[dreg:$0x1] =	wrdreg $0xFFFFFFFF  }
0xad: {  	[dreg:$0x0] =	wrdreg $0x60  }
0xae: {  	[dreg:$0x2] =	wrdreg s24  }
0xaf: {  	[dreg:$0x3] =	wrdreg s2  }
0xb0: {  	[dreg:$0x4] =	wrdreg $0x4C000  }
0xb1: {  	[dreg:$0x5] =	wrdreg $0x9  }
0xb2: {  	_ =	task.clear_ibuf [dreg:s7], $0x6FFFF;
	_ =	strace $0x90000049  }
0xb3: {  	s29 =	simm.s32 $0x9;
	_ =	strace $0x8000004B  }
0xb4: {  	_ =	swait.ge [sflag:s29], $0x1  }
0xb5: {  	[sflag:s29] =	ssyncadd.s32 $0xFFFFFFFF  }
0xb6: {  	_ =	strace $0x9000004B  }
0xb7: {  	_ =	sfence  }
0xb8: {  	s30 =	sld [smem:$0x0];
	_ =	sdelay $0x2  }
0xb9: {  	s31 =	sshll.u32 s1, $0xD;
	s1 =	sshrl.u32 s1, $0x2  }
0xba: {  	s3 =	sand.u32 $0x4000, s31;
	s1 =	sadd.s32 s1, s30  }
0xbb: {  	s0 =	sor.u32 s3, s0;
	s1 =	sshll.u32 s1, $0x11  }
0xbc: {  	s0 =	sor.u32 s1, s0  }
0xbd: {  	s0 =	sadd.s32 $0x8F2B, s0  }
0xbe: {  	[sflag:s0] =	ssyncadd.remote.s32 $0x1  }
0xbf: {  	_ =	sfence.sel $0xFFFF  }
0xc0: {  	[dreg:$0x0] =	wrdreg $0xFFFFFFFF;
	(pc) =	sbr.abs _section_cstart, $3  }
0xc1: {  	[dreg:$0x1] =	wrdreg $0xFFFFFFFF  }
0xc2: {  	_ =	task.clear_ibuf [dreg:s7], $0x2FFFF;
	_ =	strace $0x9FFFFFFF  }
0xc3: {  	(tm) =	ssettm $0x7FFFFFFF  }
tec
execute0_lowered:
.L_overlay_start_1:
0x0: {  	(tag) =	ssettag $0x1  }
0x1: {  	s0 =	rddreg [dreg:$0x0]  }
0x2: {  	s3 =	rddreg [dreg:$0x2];
	s1 =	simm.s32 $0x0  }
0x3: {  	[smem:$0x7FF] =	sst s1;
	s1 =	stileid.u32  }
0x4: {  	s6 =	srdreg.scid;
	s2 =	smul.u32 $0x1880, s1  }
0x5: {  	s28 =	simm.s32 $0x2C00;
	s7 =	sand.u32 $0x1, s6;
	s9 =	smul.u32 $0x1F400, s1  }
0x6: {  	s29 =	simm.s32 $0x3;
	s30 =	simm.s32 $0x3C00;
	s16 =	smul.u32 $0xC350, s7  }
0x7: {  	s31 =	simm.s32 $0x4;
	s10 =	sor.u32 $0x10, s1;
	s23 =	smul.u32 $0x3E8, s1  }
0x8: {  	s5 =	sadd.s32 $0x3200, s0;
	s12 =	sor.u32 $0x20, s1;
	s11 =	smul.u32 $0x1F400, s10  }
0x9: {  	_ =	strace $0x8000004A;
	s13 =	sor.u32 $0x30, s1;
	s21 =	smul.u32 $0x1F400, s12  }
0xa: {  	s6 =	ssub.s32 $0x2, s7;
	s22 =	sshll.u32 s1, $0x6;
	s15 =	smul.u32 $0x1F400, s13  }
0xb: {  	p0 =	seq.s32 s7, $0x0;
	s8 =	sshrl.u32 s6, $0x1;
	s10 =	smul.u32 $0x3E8, s10  }
0xc: {  	s17 =	smul.u32 $0x3E8, s13;
	s2 =	sadd.s32 s2, s0;
	s0 =	sadd.s32 $0x64E00, s0  }
0xd: {  	s8 =	ssub.s32 s6, s8;
	s20 =	sshrl.u32 s9, $0x2;
	s6 =	sor.u32 $0x1C0A, s22  }
0xe: {  	s14 =	sadd.s32 s20, s3;
	s11 =	sshrl.u32 s11, $0x2;
	s9 =	sshrl.u32 s21, $0x2  }
0xf: {  	s25 =	sshrl.u32 s15, $0x2;
	s7 =	sadd.s32 $0xDD8A00, s2;
	s15 =	smul.u32 $0x3E8, s12  }
0x10: {  	s21 =	sadd.s32 s16, s17;
	s4 =	sadd.s32 s11, s3;
	s24 =	sadd.s32 s9, s3  }
0x11: {  	s26 =	sadd.s32 s25, s3;
	[dreg:$0x7] =	wrdreg s7;
	s9 =	sadd.s32 s23, s16  }
0x12: {  	s11 =	sadd.s32 s16, s10;
	s10 =	simm.s32 $0xDC0200;
	[dreg:$0x4] =	wrdreg s4  }
0x13: {  	s23 =	sshll.u32 s21, $0x2;
	s21 =	simm.s32 $0x7;
	[dreg:$0x5] =	wrdreg s24  }
0x14: {  	[dreg:$0x6] =	wrdreg s26;
	s7 =	sshll.u32 s9, $0x2;
	s9 =	sshll.u32 s11, $0x2  }
0x15: {  	s20 =	sadd.s32 s16, s15;
	s10 =	simm.s32 @!p0 $0xDF1200;
	s24 =	smax.u32 s8, $0x1  }
0x16: {  	s26 =	sadd.s32 $0xDD8A40, s2;
	p0 =	sgt.u32 s1, $0x1;
	s8 =	simm.s32 $0x9  }
0x17: {  	s18 =	sadd.s32 s0, s7;
	s19 =	sadd.s32 s0, s9;
	[dreg:$0xc] =	wrdreg s24  }
0x18: {  	s7 =	sshll.u32 s20, $0x2;
	s25 =	sadd.s32 s10, s2;
	[dreg:$0xf] =	wrdreg s26  }
0x19: {  	s20 =	simm.s32 $0xA;
	s24 =	simm.s32 $0xC00;
	s26 =	simm.s32 $0x2  }
0x1a: {  	s2 =	simm.s32 $0x6;
	s9 =	simm.s32 $0x0;
	[dreg:$0x8] =	wrdreg s18  }
.Ltmp0:
0x1b: {  	[dreg:$0x9] =	wrdreg s19;
	s22 =	sadd.s32 s0, s7;
	(pc) =	sbr.rel .LBB2_1-.Ltmp0, $4  }
0x1c: {  	s0 =	sadd.s32 s0, s23;
	[dreg:$0xd] =	wrdreg s25;
	s19 =	sshrl.u32 s14, $0x3  }
0x1d: {  	s23 =	simm.s32 $0x80;
	s7 =	simm.s32 $0x8;
	[dreg:$0xa] =	wrdreg s22  }
0x1e: {  	[dreg:$0xb] =	wrdreg s0;
	s0 =	sadd.s32 $0x40, s25;
	s22 =	simm.s32 $0x1  }
0x1f: {  	s25 =	simm.s32 $0x1C00;
	[dreg:$0xe] =	wrdreg s0;
	s0 =	simm.s32 $0x5  }
.LBB2_6:
0x20: {  	_ =	swait.ge [sflag:s2], $0x1000  }
0x21: {  	[sflag:s2] =	ssyncset.done $0x0  }
0x22: {  	[sflag:s2] =	ssyncadd.s32 $0xFFFFF000  }
0x23: {  	_ =	swait.ge [sflag:s21], $0x1000  }
0x24: {  	[sflag:s21] =	ssyncset.done $0x0  }
0x25: {  	[sflag:s21] =	ssyncadd.s32 $0xFFFFF000  }
0x26: {  	_ =	swait.ge [sflag:s7], $0x1000  }
0x27: {  	[sflag:s7] =	ssyncset.done $0x0  }
0x28: {  	[sflag:s7] =	ssyncadd.s32 $0xFFFFF000  }
0x29: {  	_ =	swait.ge [sflag:s8], $0x1000  }
0x2a: {  	[sflag:s8] =	ssyncset.done $0x0  }
0x2b: {  	[sflag:s8] =	ssyncadd.s32 $0xFFFFF000  }
0x2c: {  	[bflag:$0x0] =	sbarrier.arrive $0xFFFF  }
0x2d: {  	s1 =	rddreg [dreg:$0x8]  }
0x2e: {  	[hbm:s1], [sflag:s6] =	dma.local [spmem:s19], $0xFA0  }
0x2f: {  	_ =	swait.ge [sflag:s20], $0xFA0  }
0x30: {  	[sflag:s20] =	ssyncset.done $0x0  }
0x31: {  	s17 =	rddreg [dreg:$0x9];
	[sflag:s20] =	ssyncadd.s32 $0xFFFFF060  }
0x32: {  	[hbm:s17], [sflag:s6] =	dma.local [spmem:s10], $0xFA0  }
0x33: {  	_ =	swait.ge [sflag:s20], $0xFA0  }
0x34: {  	[sflag:s20] =	ssyncset.done $0x0  }
0x35: {  	s18 =	rddreg [dreg:$0xa];
	[sflag:s20] =	ssyncadd.s32 $0xFFFFF060  }
0x36: {  	[hbm:s18], [sflag:s6] =	dma.local [spmem:s11], $0xFA0  }
0x37: {  	_ =	swait.ge [sflag:s20], $0xFA0  }
0x38: {  	[sflag:s20] =	ssyncset.done $0x0  }
0x39: {  	s1 =	rddreg [dreg:$0xb];
	[sflag:s20] =	ssyncadd.s32 $0xFFFFF060  }
0x3a: {  	[hbm:s1], [sflag:s6] =	dma.local @!p0 [spmem:s12], $0xFA0  }
0x3b: {  	s1 =	simm.s32 @!p0 $0xA  }
0x3c: {  	_ =	swait.ge @!p0 [sflag:s1], $0xFA0  }
0x3d: {  	s9 =	sadd.s32 $0x1, s9;
	s4 =	rddreg [dreg:$0xc]  }
0x3e: {  	p1 =	sne.s32 s9, s4  }
.Ltmp1:
0x3f: {  	_ = 	snop;
	(pc) =	sbr.rel @!p1 .LBB2_7-.Ltmp1, $3  }
0x40: {  	_ =	sdelay $0x1  }
0x41: {  	[sflag:s1] =	ssyncset.done @!p0 $0x0  }
0x42: {  	[sflag:s1] =	ssyncadd.s32 @!p0 $0xFFFFF060  }
.LBB2_1:
0x43: {  	s1 =	rddreg [dreg:$0x1]  }
0x44: {  	[spmem:s19], [sflag:s6] =	dma.local [hbm:s1], $0xFA0  }
0x45: {  	_ =	swait.ge [sflag:s20], $0xFA0  }
0x46: {  	[sflag:s20] =	ssyncset.done $0x0;
	s4 =	rddreg [dreg:$0x4]  }
0x47: {  	[sflag:s20] =	ssyncadd.s32 $0xFFFFF060;
	s10 =	sshrl.u32 s4, $0x3  }
0x48: {  	[spmem:s10], [sflag:s6] =	dma.local [hbm:s1], $0xFA0  }
0x49: {  	_ =	swait.ge [sflag:s20], $0xFA0  }
0x4a: {  	[sflag:s20] =	ssyncset.done $0x0;
	s14 =	rddreg [dreg:$0x5]  }
0x4b: {  	[sflag:s20] =	ssyncadd.s32 $0xFFFFF060;
	s11 =	sshrl.u32 s14, $0x3  }
0x4c: {  	[spmem:s11], [sflag:s6] =	dma.local [hbm:s1], $0xFA0  }
0x4d: {  	_ =	swait.ge [sflag:s20], $0xFA0  }
0x4e: {  	[sflag:s20] =	ssyncset.done $0x0;
	s4 =	rddreg [dreg:$0x6]  }
0x4f: {  	s13 =	simm.s32 @!p0 $0xA;
	[sflag:s20] =	ssyncadd.s32 $0xFFFFF060;
	s12 =	sshrl.u32 @!p0 s4, $0x3  }
0x50: {  	[spmem:s12], [sflag:s6] =	dma.local @!p0 [hbm:s1], $0xFA0  }
0x51: {  	_ =	swait.ge @!p0 [sflag:s13], $0xFA0  }
0x52: {  	[sflag:s13] =	ssyncset.done @!p0 $0x0  }
0x53: {  	[sflag:s13] =	ssyncadd.s32 @!p0 $0xFFFFF060  }
0x54: {  	[bflag:$0x0] =	sbarrier.arrive $0xFFFF  }
0x55: {  	s15 =	simm.s32 $0x0;
	s16 =	rddreg [dreg:$0xd]  }
0x56: {  	[tilespmem:s15], [sflag:$0x1] =	stream.linear.gather [hbm4b:s16+s15], $0x200, $0x38;
	[tilespmem:$0x1D2B0] =	vst v63  }
0x57: {  	s18 =	simm.s32 $0x600;
	s17 =	rddreg [dreg:$0x7]  }
0x58: {  	[tilespmem:s18], [sflag:$0x1] =	stream.linear.gather [hbm4b:s17+s15], $0x200, $0x38;
	[tilespmem:$0x1D2B0] =	vst v63  }
0x59: {  	_ =	swait.ge [sflag:s22], $0x200  }
0x5a: {  	[sflag:s22] =	ssyncset.done $0x0  }
0x5b: {  	[sflag:s22] =	ssyncadd.s32 $0xFFFFFE00  }
.Ltmp2:
0x5c: {  	_ =	swait.ge [sflag:s22], $0x200;
	(pc) =	sbr.rel .LBB2_2-.Ltmp2, $4  }
0x5d: {  	[sflag:s22] =	ssyncset.done $0x0  }
0x5e: {  	s18 =	rddreg [dreg:$0xf];
	[sflag:s22] =	ssyncadd.s32 $0xFFFFFE00  }
0x5f: {  	[tilespmem:s24], [sflag:$0x2] =	stream.indirect.gather [hbm4b:s5+s23], $0x20, s15, s23, $0xb8;
	[tilespmem:$0x1D2B0] =	vst v63  }
0x60: {  	s17 =	rddreg [dreg:$0xe];
	s15 =	simm.s32 $0x0  }
.LBB2_4:
0x61: {  	_ =	swait.ge [sflag:s21], $0x1000  }
0x62: {  	[sflag:s21] =	ssyncset.done $0x0  }
0x63: {  	p2 =	por $0x0, $0x0;
	[sflag:s21] =	ssyncadd.s32 $0xFFFFF000  }
.LBB2_5:
0x64: {  	s1 =	sshrl.u32 s16, $0x9  }
0x65: {  	s1 =	sand.u32 $0x7F, s1  }
0x66: {  	s1 =	smul.u32 $0x3, s1;
	_ =	sdelay $0x1  }
0x67: {  	s1 =	ssub.s32 s15, s1  }
0x68: {  	s1 =	sand.u32 $0xFF, s1  }
0x69: {  	s1 =	sshll.u32 s1, $0x9  }
0x6a: {  	s4 =	sor.u32 $0x80, s1  }
0x6b: {  	[tilespmem:s25], [sflag:$0x3] =	stream.indirect.gather [hbm4b:s5+s23], $0x20, s4, s23, $0xb8;
	[tilespmem:$0x1D2B0] =	vst v63  }
0x6c: {  	_ =	swait.ge [sflag:s26], $0x1000  }
0x6d: {  	[sflag:s26] =	ssyncset.done $0x0  }
0x6e: {  	s15 =	simm.s32 @!p2 $0x8;
	s16 =	sadd.s32 $0x600, s1;
	[sflag:s26] =	ssyncadd.s32 $0xFFFFF000  }
0x6f: {  	[spmem:s3] =	stream.indirect.scatter.add.f32 [tilespmem:s24], [sflag:$0x6], $0x20, s16, s23, $0xb8;
	[tilespmem:$0x1D2B0] =	vst v63  }
0x70: {  	_ =	swait.ge @!p2 [sflag:s15], $0x1000  }
0x71: {  	[sflag:s15] =	ssyncset.done @!p2 $0x0  }
0x72: {  	s16 =	sor.u32 $0x100, s1;
	[sflag:s15] =	ssyncadd.s32 @!p2 $0xFFFFF000  }
0x73: {  	[tilespmem:s28], [sflag:$0x4] =	stream.indirect.gather [hbm4b:s5+s23], $0x20, s16, s23, $0xb8;
	[tilespmem:$0x1D2B0] =	vst v63  }
0x74: {  	_ =	swait.ge [sflag:s29], $0x1000  }
0x75: {  	[sflag:s29] =	ssyncset.done $0x0  }
0x76: {  	s4 =	sadd.s32 $0x600, s4;
	[sflag:s29] =	ssyncadd.s32 $0xFFFFF000  }
0x77: {  	[spmem:s3] =	stream.indirect.scatter.add.f32 [tilespmem:s25], [sflag:$0x7], $0x20, s4, s23, $0xb8;
	[tilespmem:$0x1D2B0] =	vst v63  }
0x78: {  	s4 =	simm.s32 @!p2 $0x9  }
0x79: {  	_ =	swait.ge @!p2 [sflag:s4], $0x1000  }
0x7a: {  	[sflag:s4] =	ssyncset.done @!p2 $0x0  }
0x7b: {  	s1 =	sor.u32 $0x180, s1;
	[sflag:s4] =	ssyncadd.s32 @!p2 $0xFFFFF000  }
0x7c: {  	[tilespmem:s30], [sflag:$0x5] =	stream.indirect.gather [hbm4b:s5+s23], $0x20, s1, s23, $0xb8;
	[tilespmem:$0x1D2B0] =	vst v63  }
0x7d: {  	_ =	swait.ge [sflag:s31], $0x1000  }
0x7e: {  	[sflag:s31] =	ssyncset.done $0x0  }
0x7f: {  	s16 =	sadd.s32 $0x600, s16;
	s4 =	simm.s32 @!p1 $0x1;
	[sflag:s31] =	ssyncadd.s32 $0xFFFFF000  }
0x80: {  	[spmem:s3] =	stream.indirect.scatter.add.f32 [tilespmem:s28], [sflag:$0x8], $0x20, s16, s23, $0xb8;
	[tilespmem:$0x1D2B0] =	vst v63  }
0x81: {  	_ =	swait.ge @!p1 [sflag:s4], $0x200  }
0x82: {  	[sflag:s4] =	ssyncset.done @!p1 $0x0  }
0x83: {  	[sflag:s4] =	ssyncadd.s32 @!p1 $0xFFFFFE00  }
0x84: {  	_ =	swait.ge @!p1 [sflag:s4], $0x200  }
0x85: {  	[sflag:s4] =	ssyncset.done @!p1 $0x0  }
0x86: {  	[sflag:s4] =	ssyncadd.s32 @!p1 $0xFFFFFE00;
	s4 =	simm.s32 @!p1 $0x6  }
0x87: {  	_ =	swait.ge @!p1 [sflag:s4], $0x1000  }
0x88: {  	[sflag:s4] =	ssyncset.done @!p1 $0x0  }
0x89: {  	s15 =	simm.s32 @!p1 $0xC00;
	[sflag:s4] =	ssyncadd.s32 @!p1 $0xFFFFF000;
	s4 =	simm.s32 @!p1 $0x80  }
0x8a: {  	[tilespmem:s15], [sflag:$0x2] =	stream.indirect.gather @!p1 [hbm4b:s5+s4], $0x20, s14, s4, $0xb8;
	[tilespmem:$0x1D2B0] =	vst v63  }
0x8b: {  	p1 =	sne.s32 s13, $0x62  }
.Ltmp3:
0x8c: {  	_ = 	snop;
	(pc) =	sbr.rel @!p1 .LBB2_6-.Ltmp3, $4  }
0x8d: {  	_ =	swait.ge [sflag:s0], $0x1000  }
0x8e: {  	s17 =	sadd.s32 $0x40, s17;
	s18 =	sadd.s32 $0x40, s18;
	[sflag:s0] =	ssyncset.done $0x0  }
0x8f: {  	s1 =	sadd.s32 $0x600, s1;
	s15 =	smov.u32 s13;
	[sflag:s0] =	ssyncadd.s32 $0xFFFFF000  }
0x90: {  	[spmem:s3] =	stream.indirect.scatter.add.f32 [tilespmem:s30], [sflag:$0x9], $0x20, s1, s23, $0xb8;
	[tilespmem:$0x1D2B0] =	vst v63  }
.LBB2_2:
0x91: {  	s16 =	smul.u32 $0xAB, s15;
	_ =	sdelay $0x1  }
0x92: {  	s13 =	sadd.s32 $0xAB, s16  }
0x93: {  	s13 =	sshrl.u32 s13, $0x9  }
0x94: {  	s13 =	sand.u32 $0x7F, s13  }
0x95: {  	p1 =	seq.s32 s15, $0x61;
	s14 =	smul.u32 $0x3, s13  }
0x96: {  	p2 =	seq.s32 @!p1 s15, $0x0;
	s13 =	sadd.s32 $0x1, s15  }
0x97: {  	p2 =	por p1, !p2;
	s14 =	ssub.s32 s13, s14  }
.Ltmp4:
0x98: {  	s14 =	sand.u32 $0xFF, s14;
	(pc) =	sbr.rel @p2 .LBB2_4-.Ltmp4, $4  }
0x99: {  	s4 =	simm.s32 @!p1 $0x0;
	s14 =	sshll.u32 @!p1 s14, $0x9  }
0x9a: {  	[tilespmem:s14], [sflag:$0x1] =	stream.linear.gather @!p1 [hbm4b:s17+s4], $0x200, $0x38;
	[tilespmem:$0x1D2B0] =	vst v63  }
0x9b: {  	s1 =	sadd.s32 @!p1 $0x600, s14  }
0x9c: {  	[tilespmem:s1], [sflag:$0x1] =	stream.linear.gather @!p1 [hbm4b:s18+s4], $0x200, $0x38;
	[tilespmem:$0x1D2B0] =	vst v63  }
.Ltmp5:
0x9d: {  	(pc) =	sbr.rel .LBB2_5-.Ltmp5, $2  }
0x9e: {  	_ =	sdelay $0x2  }
0x9f: {  	p2 =	por @!p1 $0x1, $0x1  }
.LBB2_7:
0xa0: {  	_ =	sfence.sel $0x180000  }
0xa1: {  	[bflag:$0x0] =	sbarrier.arrive $0xFFFF  }
0xa2: {  	_ =	strace $0x9000004A  }
0xa3: {  	s0 =	stileid.u32;
	[bflag:$0x2] =	sbarrier.arrive $0xFFFF  }
0xa4: {  	p0 =	sne.s32 s0, $0x0;
	s0 =	rddreg [dreg:$0x3]  }
0xa5: {  	s0 =	sadd.s32 @!p0 $0x100000, s0  }
0xa6: {  	[sflag:s0] =	ssyncadd.tile.s32 @!p0 $0x1;
	_ =	shalt  }
.Lfunc_end2:
_tile_overlayer_lowered:
.L_overlay_start_2:
0xa7: {  	(tag) =	ssettag $0x2  }
0xa8: {  	s0 =	rddreg [dreg:$0x0];
	s2 =	stileid.u32  }
0xa9: {  	s1 =	rddreg [dreg:$0x1];
	p0 =	sne.s32 s2, $0x0  }
0xaa: {  	s3 =	rddreg [dreg:$0x2];
	[bflag:$0x3] =	sbarrier.arrive $0xFFFF;
	s2 =	simm.s32 @!p0 $0x1C0A  }
0xab: {  	[timem:s3], [sflag:s2] =	dma.local @!p0 [hbm:s0], s1  }
0xac: {  	s0 =	simm.s32 @!p0 $0xA  }
0xad: {  	_ =	swait.ge @!p0 [sflag:s0], s1  }
0xae: {  	s1 =	ssub.s32 @!p0 $0x0, s1;
	[sflag:s0] =	ssyncset.done @!p0 $0x0  }
0xaf: {  	[sflag:s0] =	ssyncadd.s32 @!p0 s1  }
0xb0: {  	[bflag:$0x3] =	sbarrier.arrive $0xFFFF  }
0xb1: {  	_ =	shalt  }

// kernel: sparse-core-data-format-call.cloned.1.call-start
scs
called_computation_lowered:
.L_overlay_start_0:
0x0: {  	s1 =	sld [smem:$0x3FD9]  }
0x1: {  	s2 =	sld [smem:$0x3FFE];
	_ =	sdelay $0x1  }
0x2: {  	s3 =	srdreg.scid  }
0x3: {  	s0 =	sand.u32 $0x1, s3  }
0x4: {  	s17 =	sshll.u32 s0, $0xA;
	s1 =	sadd.s32 s2, s1  }
0x5: {  	s1 =	sadd.s32 s1, s17  }
0x6: {  	[smem:$0x3FBA] =	sst s1  }
0x7: {  	_ = 	snop  }
0x8: {  	(tm) =	ssettm $0x1  }
0x9: {  	s18 =	sld [smem:$0x3FFB];
	_ =	sdelay $0x3  }
0xa: {  	_ =	strace s18  }
0xb: {  	s1 =	sld [smem:$0x3FFC];
	_ =	sdelay $0x3  }
0xc: {  	_ =	strace s1  }
0xd: {  	s1 =	sld [smem:$0x3FFD];
	_ =	sdelay $0x3  }
0xe: {  	_ =	strace s1  }
0xf: {  	_ =	strace $0x8FFFFFFF  }
0x10: {  	s19 =	sld [smem:$0x3FDB];
	_ =	sdelay $0x1  }
0x11: {  	s20 =	simm.s32 $_scs_section_size  }
0x12: {  	s4 =	simm.s32 $_size__tile_overlayer_lowered;
	s5 =	simm.s32 $_tile_overlayer_lowered  }
0x13: {  	s23 =	simm.s32 $0x1BFF;
	s22 =	sshll.u32 s5, $0x1;
	s1 =	sadd.s32 s20, s19  }
0x14: {  	s6 =	simm.s32 $0x0;
	s21 =	sshll.u32 s4, $0x1;
	s4 =	sadd.s32 s22, s1  }
0x15: {  	[timem:s6], [sflag:s23] =	dma.local [hbm:s4], s21  }
0x16: {  	_ =	swait.ge [sflag:s23], s21  }
0x17: {  	s2 =	ssub.s32 $0x0, s21;
	[sflag:s23] =	ssyncset.done $0x0  }
0x18: {  	[sflag:s23] =	ssyncadd.s32 s2;
	_ =	sdelay $0x1  }
0x19: {  	s24 =	simm.s32 $0x1B8B  }
0x1a: {  	_ =	swait.ge [sflag:s24], $0x1  }
0x1b: {  	[sflag:s24] =	ssyncset.done $0x0  }
0x1c: {  	s26 =	simm.s32 $0x1B8E;
	s25 =	sld [smem:$0x3FFE];
	[sflag:s24] =	ssyncadd.s32 $0xFFFFFFFF  }
0x1d: {  	s27 =	simm.s32 $execute0_lowered;
	[smem:$0x3FD2] =	sst s26  }
0x1e: {  	s4 =	sshll.u32 s27, $0x1;
	_ =	strace $0x80000046;
	[dreg:$0x1] =	wrdreg $0xFFFFFFFF  }
0x1f: {  	s28 =	simm.s32 $_size_execute0_lowered;
	s1 =	sadd.s32 s1, s4;
	[dreg:$0x0] =	wrdreg $0x0  }
0x20: {  	s4 =	sshll.u32 s28, $0x1;
	[dreg:$0x2] =	wrdreg s1  }
0x21: {  	[dreg:$0x3] =	wrdreg s4  }
0x22: {  	[dreg:$0x4] =	wrdreg $0xC0  }
0x23: {  	_ =	task [dreg:s6], $0x5FFFF  }
0x24: {  	[dreg:$0x1] =	wrdreg $0xFFFFFFFF  }
0x25: {  	[dreg:$0x0] =	wrdreg $0x60  }
0x26: {  	[dreg:$0x2] =	wrdreg s25  }
0x27: {  	[dreg:$0x3] =	wrdreg $0x9  }
0x28: {  	_ =	task.clear_ibuf [dreg:s6], $0x4FFFF;
	_ =	strace $0x90000046  }
0x29: {  	s29 =	simm.s32 $0x9;
	_ =	strace $0x80000048  }
0x2a: {  	_ =	swait.ge [sflag:s29], $0x1  }
0x2b: {  	[sflag:s29] =	ssyncadd.s32 $0xFFFFFFFF  }
0x2c: {  	_ =	strace $0x90000048  }
0x2d: {  	_ =	sfence  }
0x2e: {  	s30 =	sld [smem:$0x0];
	_ =	sdelay $0x2  }
0x2f: {  	s31 =	sshll.u32 s3, $0xD;
	s3 =	sshrl.u32 s3, $0x2  }
0x30: {  	s2 =	sand.u32 $0x4000, s31;
	s1 =	sadd.s32 s3, s30  }
0x31: {  	s0 =	sor.u32 s2, s0;
	s1 =	sshll.u32 s1, $0x11  }
0x32: {  	s0 =	sor.u32 s1, s0  }
0x33: {  	s0 =	sadd.s32 $0x8F2B, s0  }
0x34: {  	[sflag:s0] =	ssyncadd.remote.s32 $0x1  }
0x35: {  	_ =	sfence.sel $0xFFFF  }
0x36: {  	[dreg:$0x0] =	wrdreg $0xFFFFFFFF;
	(pc) =	sbr.abs _section_cstart, $3  }
0x37: {  	[dreg:$0x1] =	wrdreg $0xFFFFFFFF  }
0x38: {  	_ =	task.clear_ibuf [dreg:s6], $0x2FFFF;
	_ =	strace $0x9FFFFFFF  }
0x39: {  	(tm) =	ssettm $0x7FFFFFFF  }
tec
execute0_lowered:
.L_overlay_start_1:
0x0: {  	(tag) =	ssettag $0x1  }
0x1: {  	s7 =	rddreg [dreg:$0x0]  }
0x2: {  	s0 =	rddreg [dreg:$0x1]  }
0x3: {  	_ =	strace $0x80000047;
	s2 =	srdreg.scid;
	s1 =	stileid.u32  }
0x4: {  	s31 =	simm.s32 $0x2;
	s14 =	simm.s32 $0x0;
	s16 =	simm.s32 $0x0  }
0x5: {  	s15 =	simm.s32 $0x0;
	s13 =	simm.s32 $0x0;
	s4 =	sshll.u32 s1, $0x6  }
0x6: {  	s3 =	sshll.u32 s2, $0x3;
	s2 =	sand.u32 $0x1, s1;
	s4 =	sand.u32 $0x380, s4  }
0x7: {  	s3 =	sand.u32 $0x8, s3;
	s5 =	ssub.s32 $0x2, s2;
	s9 =	ssub.s32 $0x6180, s4  }
0x8: {  	s8 =	sshrl.u32 s5, $0x1;
	s5 =	sand.u32 $0x1, s5;
	s9 =	sshrl.u32 s9, $0xA  }
0x9: {  	s10 =	ssub.s32 $0x10, s3;
	s5 =	sadd.s32 s5, s8;
	s28 =	sadd.s32 $0x1, s9  }
0xa: {  	s12 =	smov.u32 s2;
	s29 =	sshrl.u32 s10, $0x3;
	s8 =	smul.u32 s5, s28  }
.Ltmp0:
0xb: {  	s10 =	sshrl.u32 s10, $0x4;
	s9 =	sand.u32 $0x1, s29;
	(pc) =	sbr.rel .LBB1_1-.Ltmp0, $4  }
0xc: {  	s6 =	sshrl.u32 s3, $0x3;
	s5 =	simm.s32 $0x1;
	s30 =	sadd.s32 s10, s9  }
0xd: {  	s11 =	sadd.s32 s6, s7;
	[sflag:s5] =	ssyncpa.u1 $0x0;
	s6 =	smul.u32 s30, s8  }
0xe: {  	s7 =	sadd.s32 $0xC38200, s7;
	s10 =	simm.s32 $0x31000;
	[sflag:s31] =	ssyncpa.u1 $0x0  }
0xf: {  	s8 =	sadd.s32 $0x3200, s11;
	s11 =	smov.u32 s4;
	s9 =	sadd.s32 $0x1, s6  }
.LBB1_7:
0x10: {  	s17 =	sadd.s32 $0x400, s11  }
0x11: {  	s15 =	sadd.s32 $0x2, s12;
	s18 =	smov.u32 s12;
	p1 =	sgt.s32 s17, $0x61A7  }
0x12: {  	s18 =	smov.u32 @p1 s15  }
0x13: {  	s17 =	smov.u32 @p1 s4;
	p1 =	sgt.s32 s18, $0x1  }
0x14: {  	s18 =	smov.u32 @p1 s2;
	p1 =	sne.s32 s13, s9  }
.Ltmp1:
0x15: {  	p0 =	slt.u32 s13, $0x2;
	(pc) =	sbr.rel @!p1 .LBB1_8-.Ltmp1, $4  }
0x16: {  	s14 =	simm.s32 @!p0 $0x2  }
0x17: {  	s16 =	smov.u32 s11;
	_ =	swait.ge @!p0 [sflag:s14], $0x4000;
	s15 =	smov.u32 s12  }
0x18: {  	[sflag:s14] =	ssyncset.done @!p0 $0x0;
	s11 =	smov.u32 s17;
	s13 =	sadd.s32 $0x1, s13  }
0x19: {  	[sflag:s14] =	ssyncadd.s32 @!p0 $0xFFFFC000;
	s14 =	smov.u32 s3;
	s12 =	smov.u32 s18  }
.LBB1_1:
0x1a: {  	p0 =	sge.u32 s13, s6  }
0x1b: {  	p1 =	sgt.s32 @!p0 s12, $0x1  }
0x1c: {  	s17 =	smov.u32 s12;
	s19 =	smov.u32 s11;
	p1 =	por !p1, p0  }
0x1d: {  	s18 =	sshra.s32 @!p0 s12, $0x1F;
	s17 =	simm.s32 @p1 $0x1;
	p1 =	sgt.s32 @!p0 s11, $0x6128  }
0x1e: {  	s20 =	sshra.s32 @!p0 s11, $0x1F;
	s18 =	sand.u32 @!p0 s18, s12;
	p1 =	por !p1, p0  }
0x1f: {  	s20 =	sand.u32 @!p0 s20, s11;
	s18 =	sxor.u32 @!p0 $0xFFFFFFFF, s18;
	s19 =	simm.s32 @p1 $0x6128  }
0x20: {  	s17 =	sadd.s32 @!p0 s18, s17;
	s18 =	ssub.s32 @!p0 s19, s20  }
0x21: {  	p1 =	sgt.s32 @!p0 s17, $0x0;
	s17 =	sshll.u32 @!p0 s17, $0x7;
	s19 =	sadd.s32 @!p0 $0xFFFF9ED8, s18  }
0x22: {  	s17 =	ssub.s32 @!p0 $0x80, s17;
	p2 =	sgt.s32 @!p0 s19, $0x7F  }
0x23: {  	p1 =	por !p1, p0;
	s18 =	ssub.s32 @!p0 $0x61A8, s18;
	p2 =	por !p2, p0  }
0x24: {  	s17 =	simm.s32 @!p1 $0x0;
	s18 =	simm.s32 @!p2 $0x0  }
0x25: {  	s19 =	sxor.u32 @!p0 $0xFFFFFFFF, s13;
	s17 =	smul.u32 @!p0 s18, s17  }
0x26: {  	s18 =	sshll.u32 @!p0 s19, $0xE;
	s19 =	smul.u32 @!p0 $0x61A800, s12  }
0x27: {  	s31 =	sadd.s32 $0xFFFFFFFF, s13;
	s21 =	simm.s32 @!p0 $0x80  }
0x28: {  	s20 =	sshll.u32 @!p0 s11, $0x8;
	s18 =	sand.u32 @!p0 $0x4000, s18;
	s19 =	sadd.s32 @!p0 s19, s8  }
0x29: {  	s17 =	sand.u32 @!p0 $0x3FFFFF80, s17;
	s19 =	sadd.s32 @!p0 s20, s19;
	s20 =	simm.s32 @!p0 $0x8  }
0x2a: {  	[tilespmem:s18], [sflag:$0x1] =	stream.strided.gather @!p0 [hbm4b:s19+s20], s17, s21, s20, $0x38;
	[tilespmem:$0x10100] =	vst v63  }
0x2b: {  	p0 =	sge.u32 s31, s6  }
.Ltmp2:
0x2c: {  	_ = 	snop;
	(pc) =	sbr.rel @p0 .LBB1_7-.Ltmp2, $1  }
0x2d: {  	_ =	sdelay $0x3  }
0x2e: {  	p0 =	sgt.s32 s15, $0x1;
	s17 =	smov.u32 s15  }
0x2f: {  	s18 =	sshra.s32 s15, $0x1F;
	s19 =	smov.u32 s16;
	s20 =	sshra.s32 s16, $0x1F  }
0x30: {  	s17 =	simm.s32 @!p0 $0x1;
	s18 =	sand.u32 s18, s15;
	p0 =	sgt.s32 s16, $0x6128  }
0x31: {  	s20 =	sand.u32 s20, s16;
	s18 =	sxor.u32 $0xFFFFFFFF, s18;
	s19 =	simm.s32 @!p0 $0x6128  }
0x32: {  	s17 =	sadd.s32 s18, s17;
	s28 =	ssub.s32 s19, s20  }
0x33: {  	p0 =	sgt.s32 s17, $0x0;
	s19 =	sadd.s32 $0xFFFF9ED8, s28;
	s17 =	sshll.u32 s17, $0x7  }
0x34: {  	s18 =	ssub.s32 $0x61A8, s28;
	p1 =	sgt.s32 s19, $0x7F;
	s17 =	ssub.s32 $0x80, s17  }
0x35: {  	s18 =	simm.s32 @p1 $0x0;
	s17 =	simm.s32 @p0 $0x0  }
0x36: {  	s29 =	sand.u32 $0x1, s13;
	s17 =	smul.u32 s18, s17  }
0x37: {  	s30 =	smul.u32 $0x10200, s29  }
0x38: {  	s17 =	sand.u32 $0x3FFFFF80, s17  }
0x39: {  	s31 =	sshrl.u32 s30, $0x2;
	_ =	swait.ge [sflag:s5], s17  }
0x3a: {  	s19 =	simm.s32 $0x0;
	s17 =	ssub.s32 $0x0, s17;
	[sflag:s5] =	ssyncset.done $0x0  }
0x3b: {  	s18 =	sshll.u32 s29, $0xE;
	[sflag:s5] =	ssyncadd.s32 s17;
	s17 =	sor.u32 $0x8000, s31  }
.LBB1_3:
0x3c: {  	s20 =	sshll.u32 s19, $0x7  }
0x3d: {  	s20 =	sand.u32 $0x3FFFFF80, s20  }
0x3e: {  	s20 =	sadd.s32 s20, s18  }
0x3f: {  	v0 =	vmov s20;
	_ =	sdelay $0x1  }
0x40: {  	p0 =	por $0x1, $0x1;
	s20 =	simm.s32 $0x0  }
.LBB1_4:
0x41: {  	s21 =	sshll.u32 s20, $0x3  }
0x42: {  	s21 =	sand.u32 $0x3FFFFFF8, s21  }
0x43: {  	s31 =	smul.u32 $0x204, s20;
	v1 =	vld.idx.msk [tilespmem:v0+s21+$0x0 ss:$0x1], $0xff;
	_ =	sdelay $0x1  }
0x44: {  	s20 =	sshra.s32 s31, $0x2  }
0x45: {  	s20 =	sadd.s32 s20, s17  }
0x46: {  	s20 =	sadd.s32 s19, s20  }
0x47: {  	[tilespmem:s20+$0x0 ss:$0x810] =	vst.msk $0xff, v1  }
0x48: {  	v1 =	vld.idx.msk [tilespmem:v0+s21+$0x8 ss:$0x1], $0xff;
	_ =	sdelay $0x4  }
0x49: {  	[tilespmem:s20+$0x81 ss:$0x810] =	vst.msk $0xff, v1  }
0x4a: {  	v1 =	vld.idx.msk [tilespmem:v0+s21+$0x10 ss:$0x1], $0xff;
	_ =	sdelay $0x4  }
0x4b: {  	[tilespmem:s20+$0x102 ss:$0x810] =	vst.msk $0xff, v1  }
0x4c: {  	v1 =	vld.idx.msk [tilespmem:v0+s21+$0x18 ss:$0x1], $0xff;
	_ =	sdelay $0x4  }
0x4d: {  	[tilespmem:s20+$0x183 ss:$0x810] =	vst.msk $0xff, v1  }
0x4e: {  	v1 =	vld.idx.msk [tilespmem:v0+s21+$0x20 ss:$0x1], $0xff;
	_ =	sdelay $0x4  }
0x4f: {  	[tilespmem:s20+$0x204 ss:$0x810] =	vst.msk $0xff, v1  }
0x50: {  	v1 =	vld.idx.msk [tilespmem:v0+s21+$0x28 ss:$0x1], $0xff;
	_ =	sdelay $0x4  }
0x51: {  	[tilespmem:s20+$0x285 ss:$0x810] =	vst.msk $0xff, v1  }
0x52: {  	v1 =	vld.idx.msk [tilespmem:v0+s21+$0x30 ss:$0x1], $0xff;
	_ =	sdelay $0x4  }
0x53: {  	[tilespmem:s20+$0x306 ss:$0x810] =	vst.msk $0xff, v1  }
0x54: {  	p1 =	por p0, p0;
	v1 =	vld.idx.msk [tilespmem:v0+s21+$0x38 ss:$0x1], $0xff  }
.Ltmp3:
0x55: {  	_ = 	snop;
	(pc) =	sbr.rel @p1 .LBB1_4-.Ltmp3, $2  }
0x56: {  	_ =	sdelay $0x2  }
0x57: {  	p0 =	por $0x0, $0x0;
	[tilespmem:s20+$0x387 ss:$0x810] =	vst.msk $0xff, v1;
	s20 =	simm.s32 $0x8  }
0x58: {  	s19 =	sadd.s32 $0x1, s19  }
0x59: {  	p0 =	sne.s32 s19, $0x80  }
.Ltmp4:
0x5a: {  	_ = 	snop;
	(pc) =	sbr.rel @p0 .LBB1_3-.Ltmp4, $1  }
0x5b: {  	_ =	sdelay $0x3  }
0x5c: {  	s18 =	sshll.u32 s16, $0x3  }
0x5d: {  	s30 =	sand.u32 $0x7F, s16;
	s18 =	sand.u32 $0xFFFFFC00, s18  }
0x5e: {  	s16 =	sor.u32 s30, s18;
	s18 =	smulhi.u32 $0x5397829D, s18  }
0x5f: {  	s19 =	smulhi.u32 $0x5397829D, s16  }
0x60: {  	s15 =	smul.u32 $0xC4000, s15  }
0x61: {  	s14 =	smul.u32 $0xC400, s14;
	s18 =	sshrl.u32 s18, $0xD;
	s19 =	sshrl.u32 s19, $0xD  }
0x62: {  	s18 =	sand.u32 $0xF, s18;
	s19 =	smul.u32 $0x6200, s19  }
0x63: {  	s18 =	smul.u32 $0xC40, s18  }
.Ltmp5:
0x64: {  	s15 =	sadd.s32 s7, s15;
	s16 =	ssub.s32 s16, s19;
	(pc) =	sbr.rel .LBB1_7-.Ltmp5, $4  }
0x65: {  	s14 =	sadd.s32 s14, s15;
	s31 =	sand.u32 $0x7, s16  }
0x66: {  	s14 =	sadd.s32 s18, s14;
	s16 =	sshrl.u32 s16, $0x3;
	s15 =	sshll.u32 s31, $0x12  }
0x67: {  	s14 =	sadd.s32 s16, s14;
	s15 =	sor.u32 $0x400, s15  }
0x68: {  	[hbm4b:s14+s15] =	stream.strided.scatter [tilespmem:s17], [sflag:$0x2], $0x4000, s10, s15, $0x20;
	[tilespmem:$0x10100] =	vst v63  }
.LBB1_8:
0x69: {  	_ =	sfence.sel $0x180000  }
0x6a: {  	s2 =	simm.s32 $0x1;
	[bflag:$0x0] =	sbarrier.arrive $0xFFFF  }
0x6b: {  	s31 =	simm.s32 $0x2;
	[sflag:s2] =	ssyncpa.u1 $0x1  }
0x6c: {  	[sflag:s31] =	ssyncpa.u1 $0x1  }
0x6d: {  	p0 =	sne.s32 s1, $0x0;
	_ =	strace $0x90000047  }
0x6e: {  	s0 =	sadd.s32 @!p0 $0x100000, s0;
	[bflag:$0x2] =	sbarrier.arrive $0xFFFF  }
0x6f: {  	[sflag:s0] =	ssyncadd.tile.s32 @!p0 $0x1;
	_ =	shalt  }
.Lfunc_end1:
_tile_overlayer_lowered:
.L_overlay_start_2:
0x70: {  	(tag) =	ssettag $0x2  }
0x71: {  	s0 =	rddreg [dreg:$0x0];
	s2 =	stileid.u32  }
0x72: {  	s1 =	rddreg [dreg:$0x1];
	p0 =	sne.s32 s2, $0x0  }
0x73: {  	s3 =	rddreg [dreg:$0x2];
	[bflag:$0x3] =	sbarrier.arrive $0xFFFF;
	s2 =	simm.s32 @!p0 $0x1C01  }
0x74: {  	[timem:s3], [sflag:s2] =	dma.local @!p0 [hbm:s0], s1  }
0x75: {  	s0 =	simm.s32 @!p0 $0x1  }
0x76: {  	_ =	swait.ge @!p0 [sflag:s0], s1  }
0x77: {  	s1 =	ssub.s32 @!p0 $0x0, s1;
	[sflag:s0] =	ssyncset.done @!p0 $0x0  }
0x78: {  	[sflag:s0] =	ssyncadd.s32 @!p0 s1  }
0x79: {  	[bflag:$0x3] =	sbarrier.arrive $0xFFFF  }
0x7a: {  	_ =	shalt  }

</sc_bundles>
